<compile_context>
chip_gen: v7x
topology: tpu7x:2x2x1
jax: 0.10.2.dev20260603
libtpu: 0.0.44.dev20260713+nightly
codegen_flags: <defaults>
</compile_context>

<pallas_src>
import jax
import jax.numpy as jnp
from jax import lax
from jax.experimental import pallas as pl
from jax.experimental.pallas import tpu as pltpu
from jax.experimental.pallas import tpu_sc as plsc

N = 10000
E = 320000
D = 128
H = 256
C = 40

NC = 2
NS = 16
NW = NC * NS

K = 128
NB = 2
CH = -(-E // (NW * K * NB)) * NB
EPAD = NW * CH * K
NPAD = 10240
STRIPE = NPAD // NS

CPAD = 128


def _make_deg_call():
  mesh = plsc.VectorSubcoreMesh(core_axis_name="c", subcore_axis_name="s")

  def kern(src_hbm, dst_hbm, zeros_hbm, ones_hbm,
           dego_hbm, degi_hbm,
           src2_v, dst2_v, ones_v, dego_sh, degi_sh,
           sa0, sa1, sa2, sa3, sb0, sb1, sb2, sb3):
    cid = lax.axis_index("c")
    sid = lax.axis_index("s")
    wid = cid * NS + sid
    sa = (sa0, sa1, sa2, sa3)
    sb = (sb0, sb1, sb2, sb3)
    NBA = 4

    pltpu.sync_copy(zeros_hbm, dego_sh.at[pl.ds(sid * STRIPE, STRIPE)])
    pltpu.sync_copy(zeros_hbm, degi_sh.at[pl.ds(sid * STRIPE, STRIPE)])
    pltpu.sync_copy(ones_hbm, ones_v)
    pltpu.sync_copy(src_hbm.at[pl.ds(wid * CH, CH)], src2_v)
    pltpu.sync_copy(dst_hbm.at[pl.ds(wid * CH, CH)], dst2_v)
    plsc.subcore_barrier()

    def body(step, carry):
      for b in range(NBA):
        i = step * NBA + b

        @pl.when(step > 0)
        def _():
          pltpu.make_async_copy(zeros_hbm.at[pl.ds(0, K)], ones_v,
                                sa[b]).wait()
          pltpu.make_async_copy(zeros_hbm.at[pl.ds(0, K)], ones_v,
                                sb[b]).wait()

        pltpu.make_async_copy(ones_v, dego_sh.at[src2_v.at[i]],
                              sa[b]).start(add=True)
        pltpu.make_async_copy(ones_v, degi_sh.at[dst2_v.at[i]],
                              sb[b]).start(add=True)
      return carry

    lax.fori_loop(0, CH // NBA, body, 0)
    for b in range(NBA):
      pltpu.make_async_copy(zeros_hbm.at[pl.ds(0, K)], ones_v,
                            sa[b]).wait()
      pltpu.make_async_copy(zeros_hbm.at[pl.ds(0, K)], ones_v,
                            sb[b]).wait()
    plsc.subcore_barrier()

    pltpu.sync_copy(dego_sh.at[pl.ds(sid * STRIPE, STRIPE)],
                    dego_hbm.at[pl.ds(cid * NPAD + sid * STRIPE, STRIPE)])
    pltpu.sync_copy(degi_sh.at[pl.ds(sid * STRIPE, STRIPE)],
                    degi_hbm.at[pl.ds(cid * NPAD + sid * STRIPE, STRIPE)])

  return pl.kernel(
      kern,
      out_type=[
          jax.ShapeDtypeStruct((NC * NPAD,), jnp.float32),
          jax.ShapeDtypeStruct((NC * NPAD,), jnp.float32),
      ],
      mesh=mesh,
      scratch_types=[
          pltpu.VMEM((CH, K), jnp.int32),
          pltpu.VMEM((CH, K), jnp.int32),
          pltpu.VMEM((K,), jnp.float32),
          pltpu.VMEM_SHARED((NPAD,), jnp.float32),
          pltpu.VMEM_SHARED((NPAD,), jnp.float32),
      ] + [pltpu.SemaphoreType.DMA] * 8,
  )


def _make_agg_call():
  mesh = plsc.VectorSubcoreMesh(core_axis_name="c", subcore_axis_name="s")
  AHEAD = 2
  HALVES = 2
  HC = CH // HALVES

  def kern(x_hbm, src_hbm, dst_hbm, zrows_hbm,
           part_hbm,
           src2_v, dst2_v, r0, r1, acc_sh,
           g0, g1, s0, s1):
    cid = lax.axis_index("c")
    sid = lax.axis_index("s")
    wid = cid * NS + sid
    gs = (g0, g1)
    ss = (s0, s1)
    rows = (r0, r1)

    @pl.when(cid == 0)
    def _():
      pltpu.sync_copy(x_hbm.at[pl.ds(sid * STRIPE, STRIPE)],
                      acc_sh.at[pl.ds(sid * STRIPE, STRIPE)])

    @pl.when(cid != 0)
    def _():
      def zbody(q, carry):
        pltpu.sync_copy(zrows_hbm, acc_sh.at[pl.ds(sid * STRIPE + q * K, K)])
        return carry
      lax.fori_loop(0, STRIPE // K, zbody, 0)

    plsc.subcore_barrier()

    for h in range(HALVES):
      pltpu.sync_copy(src_hbm.at[pl.ds(wid * CH + h * HC, HC)], src2_v)
      pltpu.sync_copy(dst_hbm.at[pl.ds(wid * CH + h * HC, HC)], dst2_v)

      for b in range(AHEAD):
        pltpu.make_async_copy(x_hbm.at[src2_v.at[b]], rows[b],
                              gs[b]).start()

      def body(step, carry):
        for b in range(NB):
          ib = step * NB + b
          pltpu.make_async_copy(x_hbm.at[pl.ds(0, K)], rows[b],
                                gs[b]).wait()
          pltpu.make_async_copy(rows[b], acc_sh.at[dst2_v.at[ib]],
                                ss[b]).start(add=True)
          jb = ib + AHEAD
          bj = (b + AHEAD) % NB

          @pl.when(jnp.logical_and(jb >= NB, jb < HC))
          def _():
            pltpu.make_async_copy(x_hbm.at[pl.ds(0, K)], rows[bj],
                                  ss[bj]).wait()

          @pl.when(jb < HC)
          def _():
            pltpu.make_async_copy(x_hbm.at[src2_v.at[jb]], rows[bj],
                                  gs[bj]).start()
        return carry

      lax.fori_loop(0, HC // NB, body, 0)
      for b in range(NB):
        pltpu.make_async_copy(x_hbm.at[pl.ds(0, K)], rows[b],
                              ss[b]).wait()

    plsc.subcore_barrier()

    pltpu.sync_copy(acc_sh.at[pl.ds(sid * STRIPE, STRIPE)],
                    part_hbm.at[pl.ds(cid * NPAD + sid * STRIPE, STRIPE)])

  return pl.kernel(
      kern,
      out_type=jax.ShapeDtypeStruct((NC * NPAD, D), jnp.float32),
      mesh=mesh,
      scratch_types=[
          pltpu.VMEM((CH // HALVES, K), jnp.int32),
          pltpu.VMEM((CH // HALVES, K), jnp.int32),
          pltpu.VMEM((K, D), jnp.float32),
          pltpu.VMEM((K, D), jnp.float32),
          pltpu.VMEM_SHARED((NPAD, D), jnp.float32),
      ] + [pltpu.SemaphoreType.DMA] * (2 * NB),
  )


def _norm_body(feat_ref, dego0_ref, dego1_ref, degi0_ref, degi1_ref,
               x_ref, normi_ref):
  deg_o = dego0_ref[...] + dego1_ref[...] + 1.0
  deg_i = degi0_ref[...] + degi1_ref[...] + 1.0
  x_ref[...] = feat_ref[...] * lax.rsqrt(deg_o)
  normi_ref[...] = lax.rsqrt(deg_i)


def _mlp_body(p0_ref, p1_ref, normi_ref,
              w1_ref, b1_ref, w2_ref, b2_ref, out_ref):
  agg = (p0_ref[...] + p1_ref[...]) * normi_ref[...]
  h = jnp.dot(agg, w1_ref[...], preferred_element_type=jnp.float32)
  h = jnp.maximum(h + b1_ref[...], 0.0)
  lg = jnp.dot(h, w2_ref[...], preferred_element_type=jnp.float32) + b2_ref[...]
  m = jnp.max(lg, axis=1, keepdims=True)
  s = jnp.sum(jnp.exp(lg - m), axis=1, keepdims=True)
  out_ref[...] = lg - m - jnp.log(s)


def kernel(features, edge_index, W1, b1, W2, b2):
  f32 = jnp.float32
  npad_e = EPAD - E
  dummy = jnp.full((npad_e,), N, dtype=jnp.int32)
  src_p = jnp.concatenate([edge_index[0].astype(jnp.int32), dummy])
  dst_p = jnp.concatenate([edge_index[1].astype(jnp.int32), dummy])
  src2 = src_p.reshape(NW * CH, K)
  dst2 = dst_p.reshape(NW * CH, K)

  zeros_stripe = jnp.zeros((STRIPE,), f32)
  ones_k = jnp.ones((K,), f32)
  zrows = jnp.zeros((K, D), f32)

  dego, degi = _make_deg_call()(src2, dst2, zeros_stripe, ones_k)

  RB = 1000
  gridb = N // RB
  dego0 = dego[:N].reshape(N, 1)
  dego1 = dego[NPAD:NPAD + N].reshape(N, 1)
  degi0 = degi[:N].reshape(N, 1)
  degi1 = degi[NPAD:NPAD + N].reshape(N, 1)
  x_pad, norm_in = pl.pallas_call(
      _norm_body,
      grid=(gridb,),
      in_specs=[
          pl.BlockSpec((RB, D), lambda i: (i, 0)),
          pl.BlockSpec((RB, 1), lambda i: (i, 0)),
          pl.BlockSpec((RB, 1), lambda i: (i, 0)),
          pl.BlockSpec((RB, 1), lambda i: (i, 0)),
          pl.BlockSpec((RB, 1), lambda i: (i, 0)),
      ],
      out_specs=[
          pl.BlockSpec((RB, D), lambda i: (i, 0)),
          pl.BlockSpec((RB, 1), lambda i: (i, 0)),
      ],
      out_shape=[
          jax.ShapeDtypeStruct((NPAD, D), f32),
          jax.ShapeDtypeStruct((NPAD, 1), f32),
      ],
  )(features, dego0, dego1, degi0, degi1)

  part = _make_agg_call()(x_pad, src2, dst2, zrows)

  W2p = jnp.concatenate([W2, jnp.zeros((H, CPAD - C), f32)], axis=1)
  b2p = jnp.concatenate([b2, jnp.full((CPAD - C,), -1e30, f32)]).reshape(1, CPAD)
  b1r = b1.reshape(1, H)

  RD = 640
  gridd = NPAD // RD
  out = pl.pallas_call(
      _mlp_body,
      grid=(gridd,),
      in_specs=[
          pl.BlockSpec((RD, D), lambda i: (i, 0)),
          pl.BlockSpec((RD, D), lambda i: (i + NPAD // RD, 0)),
          pl.BlockSpec((RD, 1), lambda i: (i, 0)),
          pl.BlockSpec((D, H), lambda i: (0, 0)),
          pl.BlockSpec((1, H), lambda i: (0, 0)),
          pl.BlockSpec((H, CPAD), lambda i: (0, 0)),
          pl.BlockSpec((1, CPAD), lambda i: (0, 0)),
      ],
      out_specs=pl.BlockSpec((RD, CPAD), lambda i: (i, 0)),
      out_shape=jax.ShapeDtypeStruct((NPAD, CPAD), f32),
  )(part, part, norm_in, W1, b1r, W2p, b2p)

  return out[:N, :C]

# --- scband reference (transcript-rebuilt; emitter-appended) ---
"""Pipeline reference for scband-bgrl-74680891343655 (READ-ONLY COPY).

The authoritative reference and input builder live on the scoring server;
editing this copy changes nothing except your own understanding.
"""

import jax, jax.numpy as jnp
import numpy as np

N = 10000
E = 320000
D = 128
H = 256
C = 40


def setup_inputs(seed: int = 0) -> dict:
    key = jax.random.key(seed)
    k1, k2, k3, k4, k5, k6 = jax.random.split(key, 6)
    features = jax.random.normal(k1, (N, D), dtype=jnp.float32)
    edge_index = jax.random.randint(k2, (2, E), 0, N, dtype=jnp.int32)
    # GraphConv weight (glorot-ish) + bias
    W1 = jax.random.normal(k3, (D, H), dtype=jnp.float32) * (1.0 / np.sqrt(D))
    b1 = jnp.zeros((H,), dtype=jnp.float32)
    # fc2 weight + bias
    W2 = jax.random.normal(k4, (H, C), dtype=jnp.float32) * (1.0 / np.sqrt(H))
    b2 = jnp.zeros((C,), dtype=jnp.float32)
    return {"features": features, "edge_index": edge_index, "W1": W1, "b1": b1, "W2": W2, "b2": b2}


def reference(features, edge_index, W1, b1, W2, b2):
    n = features.shape[0]
    # g = dgl.add_self_loop(g)
    self_loops = jnp.arange(n, dtype=edge_index.dtype)
    src = jnp.concatenate([edge_index[0], self_loops])
    dst = jnp.concatenate([edge_index[1], self_loops])
    # DGL GraphConv with norm='both': D_out^{-1/2} applied to src feats,
    # sum-aggregate over in-edges, then D_in^{-1/2} on dst, then linear.
    deg_out = jnp.bincount(src, length=n).astype(features.dtype)
    deg_in = jnp.bincount(dst, length=n).astype(features.dtype)
    norm_out = jnp.where(deg_out > 0, jax.lax.rsqrt(jnp.maximum(deg_out, 1.0)), 0.0)
    norm_in = jnp.where(deg_in > 0, jax.lax.rsqrt(jnp.maximum(deg_in, 1.0)), 0.0)
    x = features * norm_out[:, None]
    msgs = jnp.take(x, src, axis=0)
    agg = jnp.zeros_like(features).at[dst].add(msgs)
    agg = agg * norm_in[:, None]
    h = agg @ W1 + b1
    h = jax.nn.relu(h)
    # dropout is identity in eval mode
    logits = h @ W2 + b2
    return jax.nn.log_softmax(logits, axis=1)

if __name__ == "__main__":
    import jax
    _d = setup_inputs()
    print(jax.jit(kernel)(*tuple(_d.values())))

</pallas_src>

<mosaic_0001>
#map = affine_map<(d0, d1) -> (0, 0)>
module attributes {stable_mosaic.version = 14 : i64} {
  func.func @kern(%arg0: i32, %arg1: i32, %arg2: memref<10240x128xf32, #tpu.memory_space<hbm>>, %arg3: memref<2560x128xi32, #tpu.memory_space<hbm>>, %arg4: memref<2560x128xi32, #tpu.memory_space<hbm>>, %arg5: memref<128x128xf32, #tpu.memory_space<hbm>>, %arg6: memref<20480x128xf32, #tpu.memory_space<hbm>>, %arg7: memref<40x128xi32, #tpu.memory_space<vmem>>, %arg8: memref<40x128xi32, #tpu.memory_space<vmem>>, %arg9: memref<128x128xf32, #tpu.memory_space<vmem>>, %arg10: memref<128x128xf32, #tpu.memory_space<vmem>>, %arg11: memref<10240x128xf32, #tpu.memory_space<vmem_shared>>, %arg12: memref<!tpu.dma_semaphore, #tpu.memory_space<semaphore_mem>>, %arg13: memref<!tpu.dma_semaphore, #tpu.memory_space<semaphore_mem>>, %arg14: memref<!tpu.dma_semaphore, #tpu.memory_space<semaphore_mem>>, %arg15: memref<!tpu.dma_semaphore, #tpu.memory_space<semaphore_mem>>) attributes {dimension_semantics = [#tpu.dimension_semantics<core_parallel>, #tpu.dimension_semantics<subcore_parallel>], iteration_bounds = array<i64: 2, 16>, scalar_prefetch = 0 : i64, scratch_operands = 9 : i64, tpu.core_type = #tpu.core_type<sc_vector_subcore>, window_params = [{transform_indices = #map}, {transform_indices = #map}, {transform_indices = #map}, {transform_indices = #map}, {transform_indices = #map}]} {
    %mul3A = arith.constant 16 : i32
    %mul3A_0 = arith.muli %arg0, %mul3A : i32
    %add3A = arith.addi %mul3A_0, %arg1 : i32
    %eq3A = arith.constant 0 : i32
    %eq3A_1 = arith.cmpi eq, %arg0, %eq3A : i32
    %convert_element_type3A = arith.extui %eq3A_1 : i1 to i32
    %cond3A = arith.constant 0 : i32
    %cond3A_2 = arith.cmpi ne, %convert_element_type3A, %cond3A : i32
    scf.if %cond3A_2 {
      %mul3A_92 = arith.constant 640 : i32
      %mul3A_93 = arith.muli %arg1, %mul3A_92 : i32
      %mul3A_94 = arith.constant 640 : i32
      %mul3A_95 = arith.muli %arg1, %mul3A_94 : i32
      "tpu.region"() ({
        %run_scoped3A = tpu.sem_alloc : memref<!tpu.dma_semaphore, #tpu.memory_space<semaphore_mem>>
        %dma_start3A_96 = arith.constant 0 : i32
        %dma_start3A_97 = tpu.memref_slice %arg11[%mul3A_95, %dma_start3A_96] : memref<10240x128xf32, #tpu.memory_space<vmem_shared>> -> memref<640x128xf32, #tpu.memory_space<vmem_shared>>
        %dma_start3A_98 = arith.constant 0 : i32
        %dma_start3A_99 = tpu.memref_slice %arg2[%mul3A_93, %dma_start3A_98] : memref<10240x128xf32, #tpu.memory_space<hbm>> -> memref<640x128xf32, #tpu.memory_space<hbm>>
        tpu.enqueue_dma source(%dma_start3A_99 : memref<640x128xf32, #tpu.memory_space<hbm>>) target(%dma_start3A_97 : memref<640x128xf32, #tpu.memory_space<vmem_shared>>) target_semaphore(%run_scoped3A : memref<!tpu.dma_semaphore, #tpu.memory_space<semaphore_mem>>)
        %dma_wait3A_100 = arith.constant 0 : i32
        %dma_wait3A_101 = tpu.memref_slice %arg11[%mul3A_95, %dma_wait3A_100] : memref<10240x128xf32, #tpu.memory_space<vmem_shared>> -> memref<640x128xf32, #tpu.memory_space<vmem_shared>>
        %dma_wait3A_102 = arith.constant 0 : i32
        %dma_wait3A_103 = tpu.memref_slice %arg2[%mul3A_93, %dma_wait3A_102] : memref<10240x128xf32, #tpu.memory_space<hbm>> -> memref<640x128xf32, #tpu.memory_space<hbm>>
        tpu.wait_dma2 semaphore(%run_scoped3A : memref<!tpu.dma_semaphore, #tpu.memory_space<semaphore_mem>>) src(%dma_wait3A_103 : memref<640x128xf32, #tpu.memory_space<hbm>>) dst(%dma_wait3A_101 : memref<640x128xf32, #tpu.memory_space<vmem_shared>>)
        tpu.yield
      }) : () -> ()
    } else {
    }
    %ne3A = arith.constant 0 : i32
    %ne3A_3 = arith.cmpi ne, %arg0, %ne3A : i32
    %convert_element_type3A_4 = arith.extui %ne3A_3 : i1 to i32
    %cond3A_5 = arith.constant 0 : i32
    %cond3A_6 = arith.cmpi ne, %convert_element_type3A_4, %cond3A_5 : i32
    scf.if %cond3A_6 {
      %scan3A_92 = arith.constant 0 : i32
      %scan3A_93 = arith.constant 0 : i32
      %scan3A_94 = arith.constant 5 : i32
      %scan3A_95 = arith.addi %scan3A_93, %scan3A_94 : i32
      %scan3A_96 = arith.constant 1 : i32
      scf.for %scan3A_98 = %scan3A_93 to %scan3A_95 step %scan3A_96  : i32 {
        %mul3A_99 = arith.constant 640 : i32
        %mul3A_100 = arith.muli %arg1, %mul3A_99 : i32
        %mul3A_101 = arith.constant 128 : i32
        %mul3A_102 = arith.muli %scan3A_98, %mul3A_101 : i32
        %add3A_103 = arith.addi %mul3A_100, %mul3A_102 : i32
        "tpu.region"() ({
          %run_scoped3A = tpu.sem_alloc : memref<!tpu.dma_semaphore, #tpu.memory_space<semaphore_mem>>
          %dma_start3A_104 = arith.constant 0 : i32
          %dma_start3A_105 = tpu.memref_slice %arg11[%add3A_103, %dma_start3A_104] : memref<10240x128xf32, #tpu.memory_space<vmem_shared>> -> memref<128x128xf32, #tpu.memory_space<vmem_shared>>
          tpu.enqueue_dma source(%arg5 : memref<128x128xf32, #tpu.memory_space<hbm>>) target(%dma_start3A_105 : memref<128x128xf32, #tpu.memory_space<vmem_shared>>) target_semaphore(%run_scoped3A : memref<!tpu.dma_semaphore, #tpu.memory_space<semaphore_mem>>)
          %dma_wait3A_106 = arith.constant 0 : i32
          %dma_wait3A_107 = tpu.memref_slice %arg11[%add3A_103, %dma_wait3A_106] : memref<10240x128xf32, #tpu.memory_space<vmem_shared>> -> memref<128x128xf32, #tpu.memory_space<vmem_shared>>
          tpu.wait_dma2 semaphore(%run_scoped3A : memref<!tpu.dma_semaphore, #tpu.memory_space<semaphore_mem>>) src(%arg5 : memref<128x128xf32, #tpu.memory_space<hbm>>) dst(%dma_wait3A_107 : memref<128x128xf32, #tpu.memory_space<vmem_shared>>)
          tpu.yield
        }) : () -> ()
      }
      %scan3A_97 = arith.constant 5 : i32
    } else {
    }
    %barrier3A = arith.constant 0 : index
    tpu.barrier barrier_id(%barrier3A)
    %mul3A_7 = arith.constant 80 : i32
    %mul3A_8 = arith.muli %add3A, %mul3A_7 : i32
    %add3A_9 = arith.constant 0 : i32
    %add3A_10 = arith.addi %mul3A_8, %add3A_9 : i32
    "tpu.region"() ({
      %run_scoped3A = tpu.sem_alloc : memref<!tpu.dma_semaphore, #tpu.memory_space<semaphore_mem>>
      %dma_start3A_92 = arith.constant 0 : i32
      %dma_start3A_93 = tpu.memref_slice %arg3[%add3A_10, %dma_start3A_92] : memref<2560x128xi32, #tpu.memory_space<hbm>> -> memref<40x128xi32, #tpu.memory_space<hbm>>
      %dma_start3A_94 = arith.constant 0 : i32
      %dma_start3A_95 = tpu.memref_slice %arg3[%add3A_10, %dma_start3A_94] : memref<2560x128xi32, #tpu.memory_space<hbm>> -> memref<40x128xi32, #tpu.memory_space<hbm>>
      tpu.enqueue_dma source(%dma_start3A_95 : memref<40x128xi32, #tpu.memory_space<hbm>>) target(%arg7 : memref<40x128xi32, #tpu.memory_space<vmem>>) target_semaphore(%run_scoped3A : memref<!tpu.dma_semaphore, #tpu.memory_space<semaphore_mem>>)
      %dma_wait3A_96 = arith.constant 0 : i32
      %dma_wait3A_97 = tpu.memref_slice %arg3[%add3A_10, %dma_wait3A_96] : memref<2560x128xi32, #tpu.memory_space<hbm>> -> memref<40x128xi32, #tpu.memory_space<hbm>>
      %dma_wait3A_98 = arith.constant 0 : i32
      %dma_wait3A_99 = tpu.memref_slice %arg3[%add3A_10, %dma_wait3A_98] : memref<2560x128xi32, #tpu.memory_space<hbm>> -> memref<40x128xi32, #tpu.memory_space<hbm>>
      tpu.wait_dma2 semaphore(%run_scoped3A : memref<!tpu.dma_semaphore, #tpu.memory_space<semaphore_mem>>) src(%dma_wait3A_99 : memref<40x128xi32, #tpu.memory_space<hbm>>) dst(%arg7 : memref<40x128xi32, #tpu.memory_space<vmem>>)
      tpu.yield
    }) : () -> ()
    %mul3A_11 = arith.constant 80 : i32
    %mul3A_12 = arith.muli %add3A, %mul3A_11 : i32
    %add3A_13 = arith.constant 0 : i32
    %add3A_14 = arith.addi %mul3A_12, %add3A_13 : i32
    "tpu.region"() ({
      %run_scoped3A = tpu.sem_alloc : memref<!tpu.dma_semaphore, #tpu.memory_space<semaphore_mem>>
      %dma_start3A_92 = arith.constant 0 : i32
      %dma_start3A_93 = tpu.memref_slice %arg4[%add3A_14, %dma_start3A_92] : memref<2560x128xi32, #tpu.memory_space<hbm>> -> memref<40x128xi32, #tpu.memory_space<hbm>>
      %dma_start3A_94 = arith.constant 0 : i32
      %dma_start3A_95 = tpu.memref_slice %arg4[%add3A_14, %dma_start3A_94] : memref<2560x128xi32, #tpu.memory_space<hbm>> -> memref<40x128xi32, #tpu.memory_space<hbm>>
      tpu.enqueue_dma source(%dma_start3A_95 : memref<40x128xi32, #tpu.memory_space<hbm>>) target(%arg8 : memref<40x128xi32, #tpu.memory_space<vmem>>) target_semaphore(%run_scoped3A : memref<!tpu.dma_semaphore, #tpu.memory_space<semaphore_mem>>)
      %dma_wait3A_96 = arith.constant 0 : i32
      %dma_wait3A_97 = tpu.memref_slice %arg4[%add3A_14, %dma_wait3A_96] : memref<2560x128xi32, #tpu.memory_space<hbm>> -> memref<40x128xi32, #tpu.memory_space<hbm>>
      %dma_wait3A_98 = arith.constant 0 : i32
      %dma_wait3A_99 = tpu.memref_slice %arg4[%add3A_14, %dma_wait3A_98] : memref<2560x128xi32, #tpu.memory_space<hbm>> -> memref<40x128xi32, #tpu.memory_space<hbm>>
      tpu.wait_dma2 semaphore(%run_scoped3A : memref<!tpu.dma_semaphore, #tpu.memory_space<semaphore_mem>>) src(%dma_wait3A_99 : memref<40x128xi32, #tpu.memory_space<hbm>>) dst(%arg8 : memref<40x128xi32, #tpu.memory_space<vmem>>)
      tpu.yield
    }) : () -> ()
    %dma_start3A = arith.constant 0 : i32
    %dma_start3A_15 = arith.constant 0 : i32
    %dma_start3A_16 = tpu.memref_slice %arg7[%dma_start3A, %dma_start3A_15] : memref<40x128xi32, #tpu.memory_space<vmem>> -> memref<1x128xi32, #tpu.memory_space<vmem>>
    %dma_start3A_17 = tpu.memref_squeeze %dma_start3A_16 : memref<1x128xi32, #tpu.memory_space<vmem>> -> memref<128xi32, #tpu.memory_space<vmem>>
    %dma_start3A_18 = arith.constant 0 : i32
    %dma_start3A_19 = arith.constant 0 : i32
    %dma_start3A_20 = tpu.memref_slice %arg2[%dma_start3A_18, %dma_start3A_19] : memref<10240x128xf32, #tpu.memory_space<hbm>> -> memref<10240x128xf32, #tpu.memory_space<hbm>>
    tpu.enqueue_indirect_dma source(%dma_start3A_20 : memref<10240x128xf32, #tpu.memory_space<hbm>>) target(%arg9 : memref<128x128xf32, #tpu.memory_space<vmem>>) offsets(%dma_start3A_17 : memref<128xi32, #tpu.memory_space<vmem>>) semaphore(%arg12 : memref<!tpu.dma_semaphore, #tpu.memory_space<semaphore_mem>>)
    %dma_start3A_21 = arith.constant 1 : i32
    %dma_start3A_22 = arith.constant 0 : i32
    %dma_start3A_23 = tpu.memref_slice %arg7[%dma_start3A_21, %dma_start3A_22] : memref<40x128xi32, #tpu.memory_space<vmem>> -> memref<1x128xi32, #tpu.memory_space<vmem>>
    %dma_start3A_24 = tpu.memref_squeeze %dma_start3A_23 : memref<1x128xi32, #tpu.memory_space<vmem>> -> memref<128xi32, #tpu.memory_space<vmem>>
    %dma_start3A_25 = arith.constant 0 : i32
    %dma_start3A_26 = arith.constant 0 : i32
    %dma_start3A_27 = tpu.memref_slice %arg2[%dma_start3A_25, %dma_start3A_26] : memref<10240x128xf32, #tpu.memory_space<hbm>> -> memref<10240x128xf32, #tpu.memory_space<hbm>>
    tpu.enqueue_indirect_dma source(%dma_start3A_27 : memref<10240x128xf32, #tpu.memory_space<hbm>>) target(%arg10 : memref<128x128xf32, #tpu.memory_space<vmem>>) offsets(%dma_start3A_24 : memref<128xi32, #tpu.memory_space<vmem>>) semaphore(%arg13 : memref<!tpu.dma_semaphore, #tpu.memory_space<semaphore_mem>>)
    %scan3A = arith.constant 0 : i32
    %scan3A_28 = arith.constant 0 : i32
    %scan3A_29 = arith.constant 20 : i32
    %scan3A_30 = arith.addi %scan3A_28, %scan3A_29 : i32
    %scan3A_31 = arith.constant 1 : i32
    scf.for %scan3A_92 = %scan3A_28 to %scan3A_30 step %scan3A_31  : i32 {
      %mul3A_93 = arith.constant 2 : i32
      %mul3A_94 = arith.muli %scan3A_92, %mul3A_93 : i32
      %add3A_95 = arith.constant 0 : i32
      %add3A_96 = arith.addi %mul3A_94, %add3A_95 : i32
      %dma_wait3A_97 = arith.constant 0 : i32
      %dma_wait3A_98 = arith.constant 0 : i32
      %dma_wait3A_99 = tpu.memref_slice %arg2[%dma_wait3A_97, %dma_wait3A_98] : memref<10240x128xf32, #tpu.memory_space<hbm>> -> memref<128x128xf32, #tpu.memory_space<hbm>>
      %dma_wait3A_100 = arith.constant 0 : i32
      %dma_wait3A_101 = arith.constant 0 : i32
      %dma_wait3A_102 = tpu.memref_slice %arg2[%dma_wait3A_100, %dma_wait3A_101] : memref<10240x128xf32, #tpu.memory_space<hbm>> -> memref<128x128xf32, #tpu.memory_space<hbm>>
      tpu.wait_dma2 semaphore(%arg12 : memref<!tpu.dma_semaphore, #tpu.memory_space<semaphore_mem>>) src(%dma_wait3A_102 : memref<128x128xf32, #tpu.memory_space<hbm>>) dst(%arg9 : memref<128x128xf32, #tpu.memory_space<vmem>>)
      %dma_start3A_103 = arith.constant 0 : i32
      %dma_start3A_104 = tpu.memref_slice %arg8[%add3A_96, %dma_start3A_103] : memref<40x128xi32, #tpu.memory_space<vmem>> -> memref<1x128xi32, #tpu.memory_space<vmem>>
      %dma_start3A_105 = tpu.memref_squeeze %dma_start3A_104 : memref<1x128xi32, #tpu.memory_space<vmem>> -> memref<128xi32, #tpu.memory_space<vmem>>
      %dma_start3A_106 = arith.constant 0 : i32
      %dma_start3A_107 = arith.constant 0 : i32
      %dma_start3A_108 = tpu.memref_slice %arg11[%dma_start3A_106, %dma_start3A_107] : memref<10240x128xf32, #tpu.memory_space<vmem_shared>> -> memref<10240x128xf32, #tpu.memory_space<vmem_shared>>
      tpu.enqueue_indirect_dma source(%arg9 : memref<128x128xf32, #tpu.memory_space<vmem>>) target(%dma_start3A_108 : memref<10240x128xf32, #tpu.memory_space<vmem_shared>>) offsets(%dma_start3A_105 : memref<128xi32, #tpu.memory_space<vmem>>) semaphore(%arg14 : memref<!tpu.dma_semaphore, #tpu.memory_space<semaphore_mem>>) {add = true}
      %add3A_109 = arith.constant 2 : i32
      %add3A_110 = arith.addi %add3A_96, %add3A_109 : i32
      %ge3A = arith.constant 2 : i32
      %ge3A_111 = arith.cmpi sge, %add3A_110, %ge3A : i32
      %lt3A = arith.constant 40 : i32
      %lt3A_112 = arith.cmpi slt, %add3A_110, %lt3A : i32
      %and3A = arith.andi %ge3A_111, %lt3A_112 : i1
      %convert_element_type3A_113 = arith.extui %and3A : i1 to i32
      %cond3A_114 = arith.constant 0 : i32
      %cond3A_115 = arith.cmpi ne, %convert_element_type3A_113, %cond3A_114 : i32
      scf.if %cond3A_115 {
        %dma_wait3A_152 = arith.constant 0 : i32
        %dma_wait3A_153 = arith.constant 0 : i32
        %dma_wait3A_154 = tpu.memref_slice %arg2[%dma_wait3A_152, %dma_wait3A_153] : memref<10240x128xf32, #tpu.memory_space<hbm>> -> memref<128x128xf32, #tpu.memory_space<hbm>>
        %dma_wait3A_155 = arith.constant 0 : i32
        %dma_wait3A_156 = arith.constant 0 : i32
        %dma_wait3A_157 = tpu.memref_slice %arg2[%dma_wait3A_155, %dma_wait3A_156] : memref<10240x128xf32, #tpu.memory_space<hbm>> -> memref<128x128xf32, #tpu.memory_space<hbm>>
        tpu.wait_dma2 semaphore(%arg14 : memref<!tpu.dma_semaphore, #tpu.memory_space<semaphore_mem>>) src(%dma_wait3A_157 : memref<128x128xf32, #tpu.memory_space<hbm>>) dst(%arg9 : memref<128x128xf32, #tpu.memory_space<vmem>>)
      } else {
      }
      %lt3A_116 = arith.constant 40 : i32
      %lt3A_117 = arith.cmpi slt, %add3A_110, %lt3A_116 : i32
      %convert_element_type3A_118 = arith.extui %lt3A_117 : i1 to i32
      %cond3A_119 = arith.constant 0 : i32
      %cond3A_120 = arith.cmpi ne, %convert_element_type3A_118, %cond3A_119 : i32
      scf.if %cond3A_120 {
        %dma_start3A_152 = arith.constant 0 : i32
        %dma_start3A_153 = tpu.memref_slice %arg7[%add3A_110, %dma_start3A_152] : memref<40x128xi32, #tpu.memory_space<vmem>> -> memref<1x128xi32, #tpu.memory_space<vmem>>
        %dma_start3A_154 = tpu.memref_squeeze %dma_start3A_153 : memref<1x128xi32, #tpu.memory_space<vmem>> -> memref<128xi32, #tpu.memory_space<vmem>>
        %dma_start3A_155 = arith.constant 0 : i32
        %dma_start3A_156 = arith.constant 0 : i32
        %dma_start3A_157 = tpu.memref_slice %arg2[%dma_start3A_155, %dma_start3A_156] : memref<10240x128xf32, #tpu.memory_space<hbm>> -> memref<10240x128xf32, #tpu.memory_space<hbm>>
        tpu.enqueue_indirect_dma source(%dma_start3A_157 : memref<10240x128xf32, #tpu.memory_space<hbm>>) target(%arg9 : memref<128x128xf32, #tpu.memory_space<vmem>>) offsets(%dma_start3A_154 : memref<128xi32, #tpu.memory_space<vmem>>) semaphore(%arg12 : memref<!tpu.dma_semaphore, #tpu.memory_space<semaphore_mem>>)
      } else {
      }
      %mul3A_121 = arith.constant 2 : i32
      %mul3A_122 = arith.muli %scan3A_92, %mul3A_121 : i32
      %add3A_123 = arith.constant 1 : i32
      %add3A_124 = arith.addi %mul3A_122, %add3A_123 : i32
      %dma_wait3A_125 = arith.constant 0 : i32
      %dma_wait3A_126 = arith.constant 0 : i32
      %dma_wait3A_127 = tpu.memref_slice %arg2[%dma_wait3A_125, %dma_wait3A_126] : memref<10240x128xf32, #tpu.memory_space<hbm>> -> memref<128x128xf32, #tpu.memory_space<hbm>>
      %dma_wait3A_128 = arith.constant 0 : i32
      %dma_wait3A_129 = arith.constant 0 : i32
      %dma_wait3A_130 = tpu.memref_slice %arg2[%dma_wait3A_128, %dma_wait3A_129] : memref<10240x128xf32, #tpu.memory_space<hbm>> -> memref<128x128xf32, #tpu.memory_space<hbm>>
      tpu.wait_dma2 semaphore(%arg13 : memref<!tpu.dma_semaphore, #tpu.memory_space<semaphore_mem>>) src(%dma_wait3A_130 : memref<128x128xf32, #tpu.memory_space<hbm>>) dst(%arg10 : memref<128x128xf32, #tpu.memory_space<vmem>>)
      %dma_start3A_131 = arith.constant 0 : i32
      %dma_start3A_132 = tpu.memref_slice %arg8[%add3A_124, %dma_start3A_131] : memref<40x128xi32, #tpu.memory_space<vmem>> -> memref<1x128xi32, #tpu.memory_space<vmem>>
      %dma_start3A_133 = tpu.memref_squeeze %dma_start3A_132 : memref<1x128xi32, #tpu.memory_space<vmem>> -> memref<128xi32, #tpu.memory_space<vmem>>
      %dma_start3A_134 = arith.constant 0 : i32
      %dma_start3A_135 = arith.constant 0 : i32
      %dma_start3A_136 = tpu.memref_slice %arg11[%dma_start3A_134, %dma_start3A_135] : memref<10240x128xf32, #tpu.memory_space<vmem_shared>> -> memref<10240x128xf32, #tpu.memory_space<vmem_shared>>
      tpu.enqueue_indirect_dma source(%arg10 : memref<128x128xf32, #tpu.memory_space<vmem>>) target(%dma_start3A_136 : memref<10240x128xf32, #tpu.memory_space<vmem_shared>>) offsets(%dma_start3A_133 : memref<128xi32, #tpu.memory_space<vmem>>) semaphore(%arg15 : memref<!tpu.dma_semaphore, #tpu.memory_space<semaphore_mem>>) {add = true}
      %add3A_137 = arith.constant 2 : i32
      %add3A_138 = arith.addi %add3A_124, %add3A_137 : i32
      %ge3A_139 = arith.constant 2 : i32
      %ge3A_140 = arith.cmpi sge, %add3A_138, %ge3A_139 : i32
      %lt3A_141 = arith.constant 40 : i32
      %lt3A_142 = arith.cmpi slt, %add3A_138, %lt3A_141 : i32
      %and3A_143 = arith.andi %ge3A_140, %lt3A_142 : i1
      %convert_element_type3A_144 = arith.extui %and3A_143 : i1 to i32
      %cond3A_145 = arith.constant 0 : i32
      %cond3A_146 = arith.cmpi ne, %convert_element_type3A_144, %cond3A_145 : i32
      scf.if %cond3A_146 {
        %dma_wait3A_152 = arith.constant 0 : i32
        %dma_wait3A_153 = arith.constant 0 : i32
        %dma_wait3A_154 = tpu.memref_slice %arg2[%dma_wait3A_152, %dma_wait3A_153] : memref<10240x128xf32, #tpu.memory_space<hbm>> -> memref<128x128xf32, #tpu.memory_space<hbm>>
        %dma_wait3A_155 = arith.constant 0 : i32
        %dma_wait3A_156 = arith.constant 0 : i32
        %dma_wait3A_157 = tpu.memref_slice %arg2[%dma_wait3A_155, %dma_wait3A_156] : memref<10240x128xf32, #tpu.memory_space<hbm>> -> memref<128x128xf32, #tpu.memory_space<hbm>>
        tpu.wait_dma2 semaphore(%arg15 : memref<!tpu.dma_semaphore, #tpu.memory_space<semaphore_mem>>) src(%dma_wait3A_157 : memref<128x128xf32, #tpu.memory_space<hbm>>) dst(%arg10 : memref<128x128xf32, #tpu.memory_space<vmem>>)
      } else {
      }
      %lt3A_147 = arith.constant 40 : i32
      %lt3A_148 = arith.cmpi slt, %add3A_138, %lt3A_147 : i32
      %convert_element_type3A_149 = arith.extui %lt3A_148 : i1 to i32
      %cond3A_150 = arith.constant 0 : i32
      %cond3A_151 = arith.cmpi ne, %convert_element_type3A_149, %cond3A_150 : i32
      scf.if %cond3A_151 {
        %dma_start3A_152 = arith.constant 0 : i32
        %dma_start3A_153 = tpu.memref_slice %arg7[%add3A_138, %dma_start3A_152] : memref<40x128xi32, #tpu.memory_space<vmem>> -> memref<1x128xi32, #tpu.memory_space<vmem>>
        %dma_start3A_154 = tpu.memref_squeeze %dma_start3A_153 : memref<1x128xi32, #tpu.memory_space<vmem>> -> memref<128xi32, #tpu.memory_space<vmem>>
        %dma_start3A_155 = arith.constant 0 : i32
        %dma_start3A_156 = arith.constant 0 : i32
        %dma_start3A_157 = tpu.memref_slice %arg2[%dma_start3A_155, %dma_start3A_156] : memref<10240x128xf32, #tpu.memory_space<hbm>> -> memref<10240x128xf32, #tpu.memory_space<hbm>>
        tpu.enqueue_indirect_dma source(%dma_start3A_157 : memref<10240x128xf32, #tpu.memory_space<hbm>>) target(%arg10 : memref<128x128xf32, #tpu.memory_space<vmem>>) offsets(%dma_start3A_154 : memref<128xi32, #tpu.memory_space<vmem>>) semaphore(%arg13 : memref<!tpu.dma_semaphore, #tpu.memory_space<semaphore_mem>>)
      } else {
      }
    }
    %scan3A_32 = arith.constant 20 : i32
    %dma_wait3A = arith.constant 0 : i32
    %dma_wait3A_33 = arith.constant 0 : i32
    %dma_wait3A_34 = tpu.memref_slice %arg2[%dma_wait3A, %dma_wait3A_33] : memref<10240x128xf32, #tpu.memory_space<hbm>> -> memref<128x128xf32, #tpu.memory_space<hbm>>
    %dma_wait3A_35 = arith.constant 0 : i32
    %dma_wait3A_36 = arith.constant 0 : i32
    %dma_wait3A_37 = tpu.memref_slice %arg2[%dma_wait3A_35, %dma_wait3A_36] : memref<10240x128xf32, #tpu.memory_space<hbm>> -> memref<128x128xf32, #tpu.memory_space<hbm>>
    tpu.wait_dma2 semaphore(%arg14 : memref<!tpu.dma_semaphore, #tpu.memory_space<semaphore_mem>>) src(%dma_wait3A_37 : memref<128x128xf32, #tpu.memory_space<hbm>>) dst(%arg9 : memref<128x128xf32, #tpu.memory_space<vmem>>)
    %dma_wait3A_38 = arith.constant 0 : i32
    %dma_wait3A_39 = arith.constant 0 : i32
    %dma_wait3A_40 = tpu.memref_slice %arg2[%dma_wait3A_38, %dma_wait3A_39] : memref<10240x128xf32, #tpu.memory_space<hbm>> -> memref<128x128xf32, #tpu.memory_space<hbm>>
    %dma_wait3A_41 = arith.constant 0 : i32
    %dma_wait3A_42 = arith.constant 0 : i32
    %dma_wait3A_43 = tpu.memref_slice %arg2[%dma_wait3A_41, %dma_wait3A_42] : memref<10240x128xf32, #tpu.memory_space<hbm>> -> memref<128x128xf32, #tpu.memory_space<hbm>>
    tpu.wait_dma2 semaphore(%arg15 : memref<!tpu.dma_semaphore, #tpu.memory_space<semaphore_mem>>) src(%dma_wait3A_43 : memref<128x128xf32, #tpu.memory_space<hbm>>) dst(%arg10 : memref<128x128xf32, #tpu.memory_space<vmem>>)
    %mul3A_44 = arith.constant 80 : i32
    %mul3A_45 = arith.muli %add3A, %mul3A_44 : i32
    %add3A_46 = arith.constant 40 : i32
    %add3A_47 = arith.addi %mul3A_45, %add3A_46 : i32
    "tpu.region"() ({
      %run_scoped3A = tpu.sem_alloc : memref<!tpu.dma_semaphore, #tpu.memory_space<semaphore_mem>>
      %dma_start3A_92 = arith.constant 0 : i32
      %dma_start3A_93 = tpu.memref_slice %arg3[%add3A_47, %dma_start3A_92] : memref<2560x128xi32, #tpu.memory_space<hbm>> -> memref<40x128xi32, #tpu.memory_space<hbm>>
      %dma_start3A_94 = arith.constant 0 : i32
      %dma_start3A_95 = tpu.memref_slice %arg3[%add3A_47, %dma_start3A_94] : memref<2560x128xi32, #tpu.memory_space<hbm>> -> memref<40x128xi32, #tpu.memory_space<hbm>>
      tpu.enqueue_dma source(%dma_start3A_95 : memref<40x128xi32, #tpu.memory_space<hbm>>) target(%arg7 : memref<40x128xi32, #tpu.memory_space<vmem>>) target_semaphore(%run_scoped3A : memref<!tpu.dma_semaphore, #tpu.memory_space<semaphore_mem>>)
      %dma_wait3A_96 = arith.constant 0 : i32
      %dma_wait3A_97 = tpu.memref_slice %arg3[%add3A_47, %dma_wait3A_96] : memref<2560x128xi32, #tpu.memory_space<hbm>> -> memref<40x128xi32, #tpu.memory_space<hbm>>
      %dma_wait3A_98 = arith.constant 0 : i32
      %dma_wait3A_99 = tpu.memref_slice %arg3[%add3A_47, %dma_wait3A_98] : memref<2560x128xi32, #tpu.memory_space<hbm>> -> memref<40x128xi32, #tpu.memory_space<hbm>>
      tpu.wait_dma2 semaphore(%run_scoped3A : memref<!tpu.dma_semaphore, #tpu.memory_space<semaphore_mem>>) src(%dma_wait3A_99 : memref<40x128xi32, #tpu.memory_space<hbm>>) dst(%arg7 : memref<40x128xi32, #tpu.memory_space<vmem>>)
      tpu.yield
    }) : () -> ()
    %mul3A_48 = arith.constant 80 : i32
    %mul3A_49 = arith.muli %add3A, %mul3A_48 : i32
    %add3A_50 = arith.constant 40 : i32
    %add3A_51 = arith.addi %mul3A_49, %add3A_50 : i32
    "tpu.region"() ({
      %run_scoped3A = tpu.sem_alloc : memref<!tpu.dma_semaphore, #tpu.memory_space<semaphore_mem>>
      %dma_start3A_92 = arith.constant 0 : i32
      %dma_start3A_93 = tpu.memref_slice %arg4[%add3A_51, %dma_start3A_92] : memref<2560x128xi32, #tpu.memory_space<hbm>> -> memref<40x128xi32, #tpu.memory_space<hbm>>
      %dma_start3A_94 = arith.constant 0 : i32
      %dma_start3A_95 = tpu.memref_slice %arg4[%add3A_51, %dma_start3A_94] : memref<2560x128xi32, #tpu.memory_space<hbm>> -> memref<40x128xi32, #tpu.memory_space<hbm>>
      tpu.enqueue_dma source(%dma_start3A_95 : memref<40x128xi32, #tpu.memory_space<hbm>>) target(%arg8 : memref<40x128xi32, #tpu.memory_space<vmem>>) target_semaphore(%run_scoped3A : memref<!tpu.dma_semaphore, #tpu.memory_space<semaphore_mem>>)
      %dma_wait3A_96 = arith.constant 0 : i32
      %dma_wait3A_97 = tpu.memref_slice %arg4[%add3A_51, %dma_wait3A_96] : memref<2560x128xi32, #tpu.memory_space<hbm>> -> memref<40x128xi32, #tpu.memory_space<hbm>>
      %dma_wait3A_98 = arith.constant 0 : i32
      %dma_wait3A_99 = tpu.memref_slice %arg4[%add3A_51, %dma_wait3A_98] : memref<2560x128xi32, #tpu.memory_space<hbm>> -> memref<40x128xi32, #tpu.memory_space<hbm>>
      tpu.wait_dma2 semaphore(%run_scoped3A : memref<!tpu.dma_semaphore, #tpu.memory_space<semaphore_mem>>) src(%dma_wait3A_99 : memref<40x128xi32, #tpu.memory_space<hbm>>) dst(%arg8 : memref<40x128xi32, #tpu.memory_space<vmem>>)
      tpu.yield
    }) : () -> ()
    %dma_start3A_52 = arith.constant 0 : i32
    %dma_start3A_53 = arith.constant 0 : i32
    %dma_start3A_54 = tpu.memref_slice %arg7[%dma_start3A_52, %dma_start3A_53] : memref<40x128xi32, #tpu.memory_space<vmem>> -> memref<1x128xi32, #tpu.memory_space<vmem>>
    %dma_start3A_55 = tpu.memref_squeeze %dma_start3A_54 : memref<1x128xi32, #tpu.memory_space<vmem>> -> memref<128xi32, #tpu.memory_space<vmem>>
    %dma_start3A_56 = arith.constant 0 : i32
    %dma_start3A_57 = arith.constant 0 : i32
    %dma_start3A_58 = tpu.memref_slice %arg2[%dma_start3A_56, %dma_start3A_57] : memref<10240x128xf32, #tpu.memory_space<hbm>> -> memref<10240x128xf32, #tpu.memory_space<hbm>>
    tpu.enqueue_indirect_dma source(%dma_start3A_58 : memref<10240x128xf32, #tpu.memory_space<hbm>>) target(%arg9 : memref<128x128xf32, #tpu.memory_space<vmem>>) offsets(%dma_start3A_55 : memref<128xi32, #tpu.memory_space<vmem>>) semaphore(%arg12 : memref<!tpu.dma_semaphore, #tpu.memory_space<semaphore_mem>>)
    %dma_start3A_59 = arith.constant 1 : i32
    %dma_start3A_60 = arith.constant 0 : i32
    %dma_start3A_61 = tpu.memref_slice %arg7[%dma_start3A_59, %dma_start3A_60] : memref<40x128xi32, #tpu.memory_space<vmem>> -> memref<1x128xi32, #tpu.memory_space<vmem>>
    %dma_start3A_62 = tpu.memref_squeeze %dma_start3A_61 : memref<1x128xi32, #tpu.memory_space<vmem>> -> memref<128xi32, #tpu.memory_space<vmem>>
    %dma_start3A_63 = arith.constant 0 : i32
    %dma_start3A_64 = arith.constant 0 : i32
    %dma_start3A_65 = tpu.memref_slice %arg2[%dma_start3A_63, %dma_start3A_64] : memref<10240x128xf32, #tpu.memory_space<hbm>> -> memref<10240x128xf32, #tpu.memory_space<hbm>>
    tpu.enqueue_indirect_dma source(%dma_start3A_65 : memref<10240x128xf32, #tpu.memory_space<hbm>>) target(%arg10 : memref<128x128xf32, #tpu.memory_space<vmem>>) offsets(%dma_start3A_62 : memref<128xi32, #tpu.memory_space<vmem>>) semaphore(%arg13 : memref<!tpu.dma_semaphore, #tpu.memory_space<semaphore_mem>>)
    %scan3A_66 = arith.constant 0 : i32
    %scan3A_67 = arith.constant 0 : i32
    %scan3A_68 = arith.constant 20 : i32
    %scan3A_69 = arith.addi %scan3A_67, %scan3A_68 : i32
    %scan3A_70 = arith.constant 1 : i32
    scf.for %scan3A_92 = %scan3A_67 to %scan3A_69 step %scan3A_70  : i32 {
      %mul3A_93 = arith.constant 2 : i32
      %mul3A_94 = arith.muli %scan3A_92, %mul3A_93 : i32
      %add3A_95 = arith.constant 0 : i32
      %add3A_96 = arith.addi %mul3A_94, %add3A_95 : i32
      %dma_wait3A_97 = arith.constant 0 : i32
      %dma_wait3A_98 = arith.constant 0 : i32
      %dma_wait3A_99 = tpu.memref_slice %arg2[%dma_wait3A_97, %dma_wait3A_98] : memref<10240x128xf32, #tpu.memory_space<hbm>> -> memref<128x128xf32, #tpu.memory_space<hbm>>
      %dma_wait3A_100 = arith.constant 0 : i32
      %dma_wait3A_101 = arith.constant 0 : i32
      %dma_wait3A_102 = tpu.memref_slice %arg2[%dma_wait3A_100, %dma_wait3A_101] : memref<10240x128xf32, #tpu.memory_space<hbm>> -> memref<128x128xf32, #tpu.memory_space<hbm>>
      tpu.wait_dma2 semaphore(%arg12 : memref<!tpu.dma_semaphore, #tpu.memory_space<semaphore_mem>>) src(%dma_wait3A_102 : memref<128x128xf32, #tpu.memory_space<hbm>>) dst(%arg9 : memref<128x128xf32, #tpu.memory_space<vmem>>)
      %dma_start3A_103 = arith.constant 0 : i32
      %dma_start3A_104 = tpu.memref_slice %arg8[%add3A_96, %dma_start3A_103] : memref<40x128xi32, #tpu.memory_space<vmem>> -> memref<1x128xi32, #tpu.memory_space<vmem>>
      %dma_start3A_105 = tpu.memref_squeeze %dma_start3A_104 : memref<1x128xi32, #tpu.memory_space<vmem>> -> memref<128xi32, #tpu.memory_space<vmem>>
      %dma_start3A_106 = arith.constant 0 : i32
      %dma_start3A_107 = arith.constant 0 : i32
      %dma_start3A_108 = tpu.memref_slice %arg11[%dma_start3A_106, %dma_start3A_107] : memref<10240x128xf32, #tpu.memory_space<vmem_shared>> -> memref<10240x128xf32, #tpu.memory_space<vmem_shared>>
      tpu.enqueue_indirect_dma source(%arg9 : memref<128x128xf32, #tpu.memory_space<vmem>>) target(%dma_start3A_108 : memref<10240x128xf32, #tpu.memory_space<vmem_shared>>) offsets(%dma_start3A_105 : memref<128xi32, #tpu.memory_space<vmem>>) semaphore(%arg14 : memref<!tpu.dma_semaphore, #tpu.memory_space<semaphore_mem>>) {add = true}
      %add3A_109 = arith.constant 2 : i32
      %add3A_110 = arith.addi %add3A_96, %add3A_109 : i32
      %ge3A = arith.constant 2 : i32
      %ge3A_111 = arith.cmpi sge, %add3A_110, %ge3A : i32
      %lt3A = arith.constant 40 : i32
      %lt3A_112 = arith.cmpi slt, %add3A_110, %lt3A : i32
      %and3A = arith.andi %ge3A_111, %lt3A_112 : i1
      %convert_element_type3A_113 = arith.extui %and3A : i1 to i32
      %cond3A_114 = arith.constant 0 : i32
      %cond3A_115 = arith.cmpi ne, %convert_element_type3A_113, %cond3A_114 : i32
      scf.if %cond3A_115 {
        %dma_wait3A_152 = arith.constant 0 : i32
        %dma_wait3A_153 = arith.constant 0 : i32
        %dma_wait3A_154 = tpu.memref_slice %arg2[%dma_wait3A_152, %dma_wait3A_153] : memref<10240x128xf32, #tpu.memory_space<hbm>> -> memref<128x128xf32, #tpu.memory_space<hbm>>
        %dma_wait3A_155 = arith.constant 0 : i32
        %dma_wait3A_156 = arith.constant 0 : i32
        %dma_wait3A_157 = tpu.memref_slice %arg2[%dma_wait3A_155, %dma_wait3A_156] : memref<10240x128xf32, #tpu.memory_space<hbm>> -> memref<128x128xf32, #tpu.memory_space<hbm>>
        tpu.wait_dma2 semaphore(%arg14 : memref<!tpu.dma_semaphore, #tpu.memory_space<semaphore_mem>>) src(%dma_wait3A_157 : memref<128x128xf32, #tpu.memory_space<hbm>>) dst(%arg9 : memref<128x128xf32, #tpu.memory_space<vmem>>)
      } else {
      }
      %lt3A_116 = arith.constant 40 : i32
      %lt3A_117 = arith.cmpi slt, %add3A_110, %lt3A_116 : i32
      %convert_element_type3A_118 = arith.extui %lt3A_117 : i1 to i32
      %cond3A_119 = arith.constant 0 : i32
      %cond3A_120 = arith.cmpi ne, %convert_element_type3A_118, %cond3A_119 : i32
      scf.if %cond3A_120 {
        %dma_start3A_152 = arith.constant 0 : i32
        %dma_start3A_153 = tpu.memref_slice %arg7[%add3A_110, %dma_start3A_152] : memref<40x128xi32, #tpu.memory_space<vmem>> -> memref<1x128xi32, #tpu.memory_space<vmem>>
        %dma_start3A_154 = tpu.memref_squeeze %dma_start3A_153 : memref<1x128xi32, #tpu.memory_space<vmem>> -> memref<128xi32, #tpu.memory_space<vmem>>
        %dma_start3A_155 = arith.constant 0 : i32
        %dma_start3A_156 = arith.constant 0 : i32
        %dma_start3A_157 = tpu.memref_slice %arg2[%dma_start3A_155, %dma_start3A_156] : memref<10240x128xf32, #tpu.memory_space<hbm>> -> memref<10240x128xf32, #tpu.memory_space<hbm>>
        tpu.enqueue_indirect_dma source(%dma_start3A_157 : memref<10240x128xf32, #tpu.memory_space<hbm>>) target(%arg9 : memref<128x128xf32, #tpu.memory_space<vmem>>) offsets(%dma_start3A_154 : memref<128xi32, #tpu.memory_space<vmem>>) semaphore(%arg12 : memref<!tpu.dma_semaphore, #tpu.memory_space<semaphore_mem>>)
      } else {
      }
      %mul3A_121 = arith.constant 2 : i32
      %mul3A_122 = arith.muli %scan3A_92, %mul3A_121 : i32
      %add3A_123 = arith.constant 1 : i32
      %add3A_124 = arith.addi %mul3A_122, %add3A_123 : i32
      %dma_wait3A_125 = arith.constant 0 : i32
      %dma_wait3A_126 = arith.constant 0 : i32
      %dma_wait3A_127 = tpu.memref_slice %arg2[%dma_wait3A_125, %dma_wait3A_126] : memref<10240x128xf32, #tpu.memory_space<hbm>> -> memref<128x128xf32, #tpu.memory_space<hbm>>
      %dma_wait3A_128 = arith.constant 0 : i32
      %dma_wait3A_129 = arith.constant 0 : i32
      %dma_wait3A_130 = tpu.memref_slice %arg2[%dma_wait3A_128, %dma_wait3A_129] : memref<10240x128xf32, #tpu.memory_space<hbm>> -> memref<128x128xf32, #tpu.memory_space<hbm>>
      tpu.wait_dma2 semaphore(%arg13 : memref<!tpu.dma_semaphore, #tpu.memory_space<semaphore_mem>>) src(%dma_wait3A_130 : memref<128x128xf32, #tpu.memory_space<hbm>>) dst(%arg10 : memref<128x128xf32, #tpu.memory_space<vmem>>)
      %dma_start3A_131 = arith.constant 0 : i32
      %dma_start3A_132 = tpu.memref_slice %arg8[%add3A_124, %dma_start3A_131] : memref<40x128xi32, #tpu.memory_space<vmem>> -> memref<1x128xi32, #tpu.memory_space<vmem>>
      %dma_start3A_133 = tpu.memref_squeeze %dma_start3A_132 : memref<1x128xi32, #tpu.memory_space<vmem>> -> memref<128xi32, #tpu.memory_space<vmem>>
      %dma_start3A_134 = arith.constant 0 : i32
      %dma_start3A_135 = arith.constant 0 : i32
      %dma_start3A_136 = tpu.memref_slice %arg11[%dma_start3A_134, %dma_start3A_135] : memref<10240x128xf32, #tpu.memory_space<vmem_shared>> -> memref<10240x128xf32, #tpu.memory_space<vmem_shared>>
      tpu.enqueue_indirect_dma source(%arg10 : memref<128x128xf32, #tpu.memory_space<vmem>>) target(%dma_start3A_136 : memref<10240x128xf32, #tpu.memory_space<vmem_shared>>) offsets(%dma_start3A_133 : memref<128xi32, #tpu.memory_space<vmem>>) semaphore(%arg15 : memref<!tpu.dma_semaphore, #tpu.memory_space<semaphore_mem>>) {add = true}
      %add3A_137 = arith.constant 2 : i32
      %add3A_138 = arith.addi %add3A_124, %add3A_137 : i32
      %ge3A_139 = arith.constant 2 : i32
      %ge3A_140 = arith.cmpi sge, %add3A_138, %ge3A_139 : i32
      %lt3A_141 = arith.constant 40 : i32
      %lt3A_142 = arith.cmpi slt, %add3A_138, %lt3A_141 : i32
      %and3A_143 = arith.andi %ge3A_140, %lt3A_142 : i1
      %convert_element_type3A_144 = arith.extui %and3A_143 : i1 to i32
      %cond3A_145 = arith.constant 0 : i32
      %cond3A_146 = arith.cmpi ne, %convert_element_type3A_144, %cond3A_145 : i32
      scf.if %cond3A_146 {
        %dma_wait3A_152 = arith.constant 0 : i32
        %dma_wait3A_153 = arith.constant 0 : i32
        %dma_wait3A_154 = tpu.memref_slice %arg2[%dma_wait3A_152, %dma_wait3A_153] : memref<10240x128xf32, #tpu.memory_space<hbm>> -> memref<128x128xf32, #tpu.memory_space<hbm>>
        %dma_wait3A_155 = arith.constant 0 : i32
        %dma_wait3A_156 = arith.constant 0 : i32
        %dma_wait3A_157 = tpu.memref_slice %arg2[%dma_wait3A_155, %dma_wait3A_156] : memref<10240x128xf32, #tpu.memory_space<hbm>> -> memref<128x128xf32, #tpu.memory_space<hbm>>
        tpu.wait_dma2 semaphore(%arg15 : memref<!tpu.dma_semaphore, #tpu.memory_space<semaphore_mem>>) src(%dma_wait3A_157 : memref<128x128xf32, #tpu.memory_space<hbm>>) dst(%arg10 : memref<128x128xf32, #tpu.memory_space<vmem>>)
      } else {
      }
      %lt3A_147 = arith.constant 40 : i32
      %lt3A_148 = arith.cmpi slt, %add3A_138, %lt3A_147 : i32
      %convert_element_type3A_149 = arith.extui %lt3A_148 : i1 to i32
      %cond3A_150 = arith.constant 0 : i32
      %cond3A_151 = arith.cmpi ne, %convert_element_type3A_149, %cond3A_150 : i32
      scf.if %cond3A_151 {
        %dma_start3A_152 = arith.constant 0 : i32
        %dma_start3A_153 = tpu.memref_slice %arg7[%add3A_138, %dma_start3A_152] : memref<40x128xi32, #tpu.memory_space<vmem>> -> memref<1x128xi32, #tpu.memory_space<vmem>>
        %dma_start3A_154 = tpu.memref_squeeze %dma_start3A_153 : memref<1x128xi32, #tpu.memory_space<vmem>> -> memref<128xi32, #tpu.memory_space<vmem>>
        %dma_start3A_155 = arith.constant 0 : i32
        %dma_start3A_156 = arith.constant 0 : i32
        %dma_start3A_157 = tpu.memref_slice %arg2[%dma_start3A_155, %dma_start3A_156] : memref<10240x128xf32, #tpu.memory_space<hbm>> -> memref<10240x128xf32, #tpu.memory_space<hbm>>
        tpu.enqueue_indirect_dma source(%dma_start3A_157 : memref<10240x128xf32, #tpu.memory_space<hbm>>) target(%arg10 : memref<128x128xf32, #tpu.memory_space<vmem>>) offsets(%dma_start3A_154 : memref<128xi32, #tpu.memory_space<vmem>>) semaphore(%arg13 : memref<!tpu.dma_semaphore, #tpu.memory_space<semaphore_mem>>)
      } else {
      }
    }
    %scan3A_71 = arith.constant 20 : i32
    %dma_wait3A_72 = arith.constant 0 : i32
    %dma_wait3A_73 = arith.constant 0 : i32
    %dma_wait3A_74 = tpu.memref_slice %arg2[%dma_wait3A_72, %dma_wait3A_73] : memref<10240x128xf32, #tpu.memory_space<hbm>> -> memref<128x128xf32, #tpu.memory_space<hbm>>
    %dma_wait3A_75 = arith.constant 0 : i32
    %dma_wait3A_76 = arith.constant 0 : i32
    %dma_wait3A_77 = tpu.memref_slice %arg2[%dma_wait3A_75, %dma_wait3A_76] : memref<10240x128xf32, #tpu.memory_space<hbm>> -> memref<128x128xf32, #tpu.memory_space<hbm>>
    tpu.wait_dma2 semaphore(%arg14 : memref<!tpu.dma_semaphore, #tpu.memory_space<semaphore_mem>>) src(%dma_wait3A_77 : memref<128x128xf32, #tpu.memory_space<hbm>>) dst(%arg9 : memref<128x128xf32, #tpu.memory_space<vmem>>)
    %dma_wait3A_78 = arith.constant 0 : i32
    %dma_wait3A_79 = arith.constant 0 : i32
    %dma_wait3A_80 = tpu.memref_slice %arg2[%dma_wait3A_78, %dma_wait3A_79] : memref<10240x128xf32, #tpu.memory_space<hbm>> -> memref<128x128xf32, #tpu.memory_space<hbm>>
    %dma_wait3A_81 = arith.constant 0 : i32
    %dma_wait3A_82 = arith.constant 0 : i32
    %dma_wait3A_83 = tpu.memref_slice %arg2[%dma_wait3A_81, %dma_wait3A_82] : memref<10240x128xf32, #tpu.memory_space<hbm>> -> memref<128x128xf32, #tpu.memory_space<hbm>>
    tpu.wait_dma2 semaphore(%arg15 : memref<!tpu.dma_semaphore, #tpu.memory_space<semaphore_mem>>) src(%dma_wait3A_83 : memref<128x128xf32, #tpu.memory_space<hbm>>) dst(%arg10 : memref<128x128xf32, #tpu.memory_space<vmem>>)
    %barrier3A_84 = arith.constant 0 : index
    tpu.barrier barrier_id(%barrier3A_84)
    %mul3A_85 = arith.constant 640 : i32
    %mul3A_86 = arith.muli %arg1, %mul3A_85 : i32
    %mul3A_87 = arith.constant 10240 : i32
    %mul3A_88 = arith.muli %arg0, %mul3A_87 : i32
    %mul3A_89 = arith.constant 640 : i32
    %mul3A_90 = arith.muli %arg1, %mul3A_89 : i32
    %add3A_91 = arith.addi %mul3A_88, %mul3A_90 : i32
    "tpu.region"() ({
      %run_scoped3A = tpu.sem_alloc : memref<!tpu.dma_semaphore, #tpu.memory_space<semaphore_mem>>
      %dma_start3A_92 = arith.constant 0 : i32
      %dma_start3A_93 = tpu.memref_slice %arg6[%add3A_91, %dma_start3A_92] : memref<20480x128xf32, #tpu.memory_space<hbm>> -> memref<640x128xf32, #tpu.memory_space<hbm>>
      %dma_start3A_94 = arith.constant 0 : i32
      %dma_start3A_95 = tpu.memref_slice %arg11[%mul3A_86, %dma_start3A_94] : memref<10240x128xf32, #tpu.memory_space<vmem_shared>> -> memref<640x128xf32, #tpu.memory_space<vmem_shared>>
      tpu.enqueue_dma source(%dma_start3A_95 : memref<640x128xf32, #tpu.memory_space<vmem_shared>>) target(%dma_start3A_93 : memref<640x128xf32, #tpu.memory_space<hbm>>) target_semaphore(%run_scoped3A : memref<!tpu.dma_semaphore, #tpu.memory_space<semaphore_mem>>)
      %dma_wait3A_96 = arith.constant 0 : i32
      %dma_wait3A_97 = tpu.memref_slice %arg6[%add3A_91, %dma_wait3A_96] : memref<20480x128xf32, #tpu.memory_space<hbm>> -> memref<640x128xf32, #tpu.memory_space<hbm>>
      %dma_wait3A_98 = arith.constant 0 : i32
      %dma_wait3A_99 = tpu.memref_slice %arg11[%mul3A_86, %dma_wait3A_98] : memref<10240x128xf32, #tpu.memory_space<vmem_shared>> -> memref<640x128xf32, #tpu.memory_space<vmem_shared>>
      tpu.wait_dma2 semaphore(%run_scoped3A : memref<!tpu.dma_semaphore, #tpu.memory_space<semaphore_mem>>) src(%dma_wait3A_99 : memref<640x128xf32, #tpu.memory_space<vmem_shared>>) dst(%dma_wait3A_97 : memref<640x128xf32, #tpu.memory_space<hbm>>)
      tpu.yield
    }) : () -> ()
    return
  }
}

#map = affine_map<(d0, d1) -> (0, 0)>
#map1 = affine_map<(d0, d1) -> (0)>
module attributes {stable_mosaic.version = 14 : i64} {
  func.func @kern(%arg0: i32, %arg1: i32, %arg2: memref<2560x128xi32, #tpu.memory_space<hbm>>, %arg3: memref<2560x128xi32, #tpu.memory_space<hbm>>, %arg4: memref<640xf32, #tpu.memory_space<hbm>>, %arg5: memref<128xf32, #tpu.memory_space<hbm>>, %arg6: memref<20480xf32, #tpu.memory_space<hbm>>, %arg7: memref<20480xf32, #tpu.memory_space<hbm>>, %arg8: memref<80x128xi32, #tpu.memory_space<vmem>>, %arg9: memref<80x128xi32, #tpu.memory_space<vmem>>, %arg10: memref<128xf32, #tpu.memory_space<vmem>>, %arg11: memref<10240xf32, #tpu.memory_space<vmem_shared>>, %arg12: memref<10240xf32, #tpu.memory_space<vmem_shared>>, %arg13: memref<!tpu.dma_semaphore, #tpu.memory_space<semaphore_mem>>, %arg14: memref<!tpu.dma_semaphore, #tpu.memory_space<semaphore_mem>>, %arg15: memref<!tpu.dma_semaphore, #tpu.memory_space<semaphore_mem>>, %arg16: memref<!tpu.dma_semaphore, #tpu.memory_space<semaphore_mem>>, %arg17: memref<!tpu.dma_semaphore, #tpu.memory_space<semaphore_mem>>, %arg18: memref<!tpu.dma_semaphore, #tpu.memory_space<semaphore_mem>>, %arg19: memref<!tpu.dma_semaphore, #tpu.memory_space<semaphore_mem>>, %arg20: memref<!tpu.dma_semaphore, #tpu.memory_space<semaphore_mem>>) attributes {dimension_semantics = [#tpu.dimension_semantics<core_parallel>, #tpu.dimension_semantics<subcore_parallel>], iteration_bounds = array<i64: 2, 16>, scalar_prefetch = 0 : i64, scratch_operands = 13 : i64, tpu.core_type = #tpu.core_type<sc_vector_subcore>, window_params = [{transform_indices = #map}, {transform_indices = #map}, {transform_indices = #map1}, {transform_indices = #map1}, {transform_indices = #map1}, {transform_indices = #map1}]} {
    %mul3A = arith.constant 16 : i32
    %mul3A_0 = arith.muli %arg0, %mul3A : i32
    %add3A = arith.addi %mul3A_0, %arg1 : i32
    %mul3A_1 = arith.constant 640 : i32
    %mul3A_2 = arith.muli %arg1, %mul3A_1 : i32
    "tpu.region"() ({
      %run_scoped3A = tpu.sem_alloc : memref<!tpu.dma_semaphore, #tpu.memory_space<semaphore_mem>>
      %dma_start3A = tpu.memref_slice %arg11[%mul3A_2] : memref<10240xf32, #tpu.memory_space<vmem_shared>> -> memref<640xf32, #tpu.memory_space<vmem_shared>>
      tpu.enqueue_dma source(%arg4 : memref<640xf32, #tpu.memory_space<hbm>>) target(%dma_start3A : memref<640xf32, #tpu.memory_space<vmem_shared>>) target_semaphore(%run_scoped3A : memref<!tpu.dma_semaphore, #tpu.memory_space<semaphore_mem>>)
      %dma_wait3A_60 = tpu.memref_slice %arg11[%mul3A_2] : memref<10240xf32, #tpu.memory_space<vmem_shared>> -> memref<640xf32, #tpu.memory_space<vmem_shared>>
      tpu.wait_dma2 semaphore(%run_scoped3A : memref<!tpu.dma_semaphore, #tpu.memory_space<semaphore_mem>>) src(%arg4 : memref<640xf32, #tpu.memory_space<hbm>>) dst(%dma_wait3A_60 : memref<640xf32, #tpu.memory_space<vmem_shared>>)
      tpu.yield
    }) : () -> ()
    %mul3A_3 = arith.constant 640 : i32
    %mul3A_4 = arith.muli %arg1, %mul3A_3 : i32
    "tpu.region"() ({
      %run_scoped3A = tpu.sem_alloc : memref<!tpu.dma_semaphore, #tpu.memory_space<semaphore_mem>>
      %dma_start3A = tpu.memref_slice %arg12[%mul3A_4] : memref<10240xf32, #tpu.memory_space<vmem_shared>> -> memref<640xf32, #tpu.memory_space<vmem_shared>>
      tpu.enqueue_dma source(%arg4 : memref<640xf32, #tpu.memory_space<hbm>>) target(%dma_start3A : memref<640xf32, #tpu.memory_space<vmem_shared>>) target_semaphore(%run_scoped3A : memref<!tpu.dma_semaphore, #tpu.memory_space<semaphore_mem>>)
      %dma_wait3A_60 = tpu.memref_slice %arg12[%mul3A_4] : memref<10240xf32, #tpu.memory_space<vmem_shared>> -> memref<640xf32, #tpu.memory_space<vmem_shared>>
      tpu.wait_dma2 semaphore(%run_scoped3A : memref<!tpu.dma_semaphore, #tpu.memory_space<semaphore_mem>>) src(%arg4 : memref<640xf32, #tpu.memory_space<hbm>>) dst(%dma_wait3A_60 : memref<640xf32, #tpu.memory_space<vmem_shared>>)
      tpu.yield
    }) : () -> ()
    "tpu.region"() ({
      %run_scoped3A = tpu.sem_alloc : memref<!tpu.dma_semaphore, #tpu.memory_space<semaphore_mem>>
      tpu.enqueue_dma source(%arg5 : memref<128xf32, #tpu.memory_space<hbm>>) target(%arg10 : memref<128xf32, #tpu.memory_space<vmem>>) target_semaphore(%run_scoped3A : memref<!tpu.dma_semaphore, #tpu.memory_space<semaphore_mem>>)
      tpu.wait_dma2 semaphore(%run_scoped3A : memref<!tpu.dma_semaphore, #tpu.memory_space<semaphore_mem>>) src(%arg5 : memref<128xf32, #tpu.memory_space<hbm>>) dst(%arg10 : memref<128xf32, #tpu.memory_space<vmem>>)
      tpu.yield
    }) : () -> ()
    %mul3A_5 = arith.constant 80 : i32
    %mul3A_6 = arith.muli %add3A, %mul3A_5 : i32
    "tpu.region"() ({
      %run_scoped3A = tpu.sem_alloc : memref<!tpu.dma_semaphore, #tpu.memory_space<semaphore_mem>>
      %dma_start3A = arith.constant 0 : i32
      %dma_start3A_60 = tpu.memref_slice %arg2[%mul3A_6, %dma_start3A] : memref<2560x128xi32, #tpu.memory_space<hbm>> -> memref<80x128xi32, #tpu.memory_space<hbm>>
      %dma_start3A_61 = arith.constant 0 : i32
      %dma_start3A_62 = tpu.memref_slice %arg2[%mul3A_6, %dma_start3A_61] : memref<2560x128xi32, #tpu.memory_space<hbm>> -> memref<80x128xi32, #tpu.memory_space<hbm>>
      tpu.enqueue_dma source(%dma_start3A_62 : memref<80x128xi32, #tpu.memory_space<hbm>>) target(%arg8 : memref<80x128xi32, #tpu.memory_space<vmem>>) target_semaphore(%run_scoped3A : memref<!tpu.dma_semaphore, #tpu.memory_space<semaphore_mem>>)
      %dma_wait3A_63 = arith.constant 0 : i32
      %dma_wait3A_64 = tpu.memref_slice %arg2[%mul3A_6, %dma_wait3A_63] : memref<2560x128xi32, #tpu.memory_space<hbm>> -> memref<80x128xi32, #tpu.memory_space<hbm>>
      %dma_wait3A_65 = arith.constant 0 : i32
      %dma_wait3A_66 = tpu.memref_slice %arg2[%mul3A_6, %dma_wait3A_65] : memref<2560x128xi32, #tpu.memory_space<hbm>> -> memref<80x128xi32, #tpu.memory_space<hbm>>
      tpu.wait_dma2 semaphore(%run_scoped3A : memref<!tpu.dma_semaphore, #tpu.memory_space<semaphore_mem>>) src(%dma_wait3A_66 : memref<80x128xi32, #tpu.memory_space<hbm>>) dst(%arg8 : memref<80x128xi32, #tpu.memory_space<vmem>>)
      tpu.yield
    }) : () -> ()
    %mul3A_7 = arith.constant 80 : i32
    %mul3A_8 = arith.muli %add3A, %mul3A_7 : i32
    "tpu.region"() ({
      %run_scoped3A = tpu.sem_alloc : memref<!tpu.dma_semaphore, #tpu.memory_space<semaphore_mem>>
      %dma_start3A = arith.constant 0 : i32
      %dma_start3A_60 = tpu.memref_slice %arg3[%mul3A_8, %dma_start3A] : memref<2560x128xi32, #tpu.memory_space<hbm>> -> memref<80x128xi32, #tpu.memory_space<hbm>>
      %dma_start3A_61 = arith.constant 0 : i32
      %dma_start3A_62 = tpu.memref_slice %arg3[%mul3A_8, %dma_start3A_61] : memref<2560x128xi32, #tpu.memory_space<hbm>> -> memref<80x128xi32, #tpu.memory_space<hbm>>
      tpu.enqueue_dma source(%dma_start3A_62 : memref<80x128xi32, #tpu.memory_space<hbm>>) target(%arg9 : memref<80x128xi32, #tpu.memory_space<vmem>>) target_semaphore(%run_scoped3A : memref<!tpu.dma_semaphore, #tpu.memory_space<semaphore_mem>>)
      %dma_wait3A_63 = arith.constant 0 : i32
      %dma_wait3A_64 = tpu.memref_slice %arg3[%mul3A_8, %dma_wait3A_63] : memref<2560x128xi32, #tpu.memory_space<hbm>> -> memref<80x128xi32, #tpu.memory_space<hbm>>
      %dma_wait3A_65 = arith.constant 0 : i32
      %dma_wait3A_66 = tpu.memref_slice %arg3[%mul3A_8, %dma_wait3A_65] : memref<2560x128xi32, #tpu.memory_space<hbm>> -> memref<80x128xi32, #tpu.memory_space<hbm>>
      tpu.wait_dma2 semaphore(%run_scoped3A : memref<!tpu.dma_semaphore, #tpu.memory_space<semaphore_mem>>) src(%dma_wait3A_66 : memref<80x128xi32, #tpu.memory_space<hbm>>) dst(%arg9 : memref<80x128xi32, #tpu.memory_space<vmem>>)
      tpu.yield
    }) : () -> ()
    %barrier3A = arith.constant 0 : index
    tpu.barrier barrier_id(%barrier3A)
    %scan3A = arith.constant 0 : i32
    %scan3A_9 = arith.constant 0 : i32
    %scan3A_10 = arith.constant 20 : i32
    %scan3A_11 = arith.addi %scan3A_9, %scan3A_10 : i32
    %scan3A_12 = arith.constant 1 : i32
    scf.for %scan3A_60 = %scan3A_9 to %scan3A_11 step %scan3A_12  : i32 {
      %mul3A_61 = arith.constant 4 : i32
      %mul3A_62 = arith.muli %scan3A_60, %mul3A_61 : i32
      %add3A_63 = arith.constant 0 : i32
      %add3A_64 = arith.addi %mul3A_62, %add3A_63 : i32
      %gt3A = arith.constant 0 : i32
      %gt3A_65 = arith.cmpi sgt, %scan3A_60, %gt3A : i32
      %convert_element_type3A = arith.extui %gt3A_65 : i1 to i32
      %cond3A = arith.constant 0 : i32
      %cond3A_66 = arith.cmpi ne, %convert_element_type3A, %cond3A : i32
      scf.if %cond3A_66 {
        %dma_wait3A_133 = arith.constant 0 : i32
        %dma_wait3A_134 = tpu.memref_slice %arg4[%dma_wait3A_133] : memref<640xf32, #tpu.memory_space<hbm>> -> memref<128xf32, #tpu.memory_space<hbm>>
        %dma_wait3A_135 = arith.constant 0 : i32
        %dma_wait3A_136 = tpu.memref_slice %arg4[%dma_wait3A_135] : memref<640xf32, #tpu.memory_space<hbm>> -> memref<128xf32, #tpu.memory_space<hbm>>
        tpu.wait_dma2 semaphore(%arg13 : memref<!tpu.dma_semaphore, #tpu.memory_space<semaphore_mem>>) src(%dma_wait3A_136 : memref<128xf32, #tpu.memory_space<hbm>>) dst(%arg10 : memref<128xf32, #tpu.memory_space<vmem>>)
        %dma_wait3A_137 = arith.constant 0 : i32
        %dma_wait3A_138 = tpu.memref_slice %arg4[%dma_wait3A_137] : memref<640xf32, #tpu.memory_space<hbm>> -> memref<128xf32, #tpu.memory_space<hbm>>
        %dma_wait3A_139 = arith.constant 0 : i32
        %dma_wait3A_140 = tpu.memref_slice %arg4[%dma_wait3A_139] : memref<640xf32, #tpu.memory_space<hbm>> -> memref<128xf32, #tpu.memory_space<hbm>>
        tpu.wait_dma2 semaphore(%arg17 : memref<!tpu.dma_semaphore, #tpu.memory_space<semaphore_mem>>) src(%dma_wait3A_140 : memref<128xf32, #tpu.memory_space<hbm>>) dst(%arg10 : memref<128xf32, #tpu.memory_space<vmem>>)
      } else {
      }
      %dma_start3A = arith.constant 0 : i32
      %dma_start3A_67 = tpu.memref_slice %arg8[%add3A_64, %dma_start3A] : memref<80x128xi32, #tpu.memory_space<vmem>> -> memref<1x128xi32, #tpu.memory_space<vmem>>
      %dma_start3A_68 = tpu.memref_squeeze %dma_start3A_67 : memref<1x128xi32, #tpu.memory_space<vmem>> -> memref<128xi32, #tpu.memory_space<vmem>>
      %dma_start3A_69 = arith.constant 0 : i32
      %dma_start3A_70 = tpu.memref_slice %arg11[%dma_start3A_69] : memref<10240xf32, #tpu.memory_space<vmem_shared>> -> memref<10240xf32, #tpu.memory_space<vmem_shared>>
      tpu.enqueue_indirect_dma source(%arg10 : memref<128xf32, #tpu.memory_space<vmem>>) target(%dma_start3A_70 : memref<10240xf32, #tpu.memory_space<vmem_shared>>) offsets(%dma_start3A_68 : memref<128xi32, #tpu.memory_space<vmem>>) semaphore(%arg13 : memref<!tpu.dma_semaphore, #tpu.memory_space<semaphore_mem>>) {add = true}
      %dma_start3A_71 = arith.constant 0 : i32
      %dma_start3A_72 = tpu.memref_slice %arg9[%add3A_64, %dma_start3A_71] : memref<80x128xi32, #tpu.memory_space<vmem>> -> memref<1x128xi32, #tpu.memory_space<vmem>>
      %dma_start3A_73 = tpu.memref_squeeze %dma_start3A_72 : memref<1x128xi32, #tpu.memory_space<vmem>> -> memref<128xi32, #tpu.memory_space<vmem>>
      %dma_start3A_74 = arith.constant 0 : i32
      %dma_start3A_75 = tpu.memref_slice %arg12[%dma_start3A_74] : memref<10240xf32, #tpu.memory_space<vmem_shared>> -> memref<10240xf32, #tpu.memory_space<vmem_shared>>
      tpu.enqueue_indirect_dma source(%arg10 : memref<128xf32, #tpu.memory_space<vmem>>) target(%dma_start3A_75 : memref<10240xf32, #tpu.memory_space<vmem_shared>>) offsets(%dma_start3A_73 : memref<128xi32, #tpu.memory_space<vmem>>) semaphore(%arg17 : memref<!tpu.dma_semaphore, #tpu.memory_space<semaphore_mem>>) {add = true}
      %mul3A_76 = arith.constant 4 : i32
      %mul3A_77 = arith.muli %scan3A_60, %mul3A_76 : i32
      %add3A_78 = arith.constant 1 : i32
      %add3A_79 = arith.addi %mul3A_77, %add3A_78 : i32
      %gt3A_80 = arith.constant 0 : i32
      %gt3A_81 = arith.cmpi sgt, %scan3A_60, %gt3A_80 : i32
      %convert_element_type3A_82 = arith.extui %gt3A_81 : i1 to i32
      %cond3A_83 = arith.constant 0 : i32
      %cond3A_84 = arith.cmpi ne, %convert_element_type3A_82, %cond3A_83 : i32
      scf.if %cond3A_84 {
        %dma_wait3A_133 = arith.constant 0 : i32
        %dma_wait3A_134 = tpu.memref_slice %arg4[%dma_wait3A_133] : memref<640xf32, #tpu.memory_space<hbm>> -> memref<128xf32, #tpu.memory_space<hbm>>
        %dma_wait3A_135 = arith.constant 0 : i32
        %dma_wait3A_136 = tpu.memref_slice %arg4[%dma_wait3A_135] : memref<640xf32, #tpu.memory_space<hbm>> -> memref<128xf32, #tpu.memory_space<hbm>>
        tpu.wait_dma2 semaphore(%arg14 : memref<!tpu.dma_semaphore, #tpu.memory_space<semaphore_mem>>) src(%dma_wait3A_136 : memref<128xf32, #tpu.memory_space<hbm>>) dst(%arg10 : memref<128xf32, #tpu.memory_space<vmem>>)
        %dma_wait3A_137 = arith.constant 0 : i32
        %dma_wait3A_138 = tpu.memref_slice %arg4[%dma_wait3A_137] : memref<640xf32, #tpu.memory_space<hbm>> -> memref<128xf32, #tpu.memory_space<hbm>>
        %dma_wait3A_139 = arith.constant 0 : i32
        %dma_wait3A_140 = tpu.memref_slice %arg4[%dma_wait3A_139] : memref<640xf32, #tpu.memory_space<hbm>> -> memref<128xf32, #tpu.memory_space<hbm>>
        tpu.wait_dma2 semaphore(%arg18 : memref<!tpu.dma_semaphore, #tpu.memory_space<semaphore_mem>>) src(%dma_wait3A_140 : memref<128xf32, #tpu.memory_space<hbm>>) dst(%arg10 : memref<128xf32, #tpu.memory_space<vmem>>)
      } else {
      }
      %dma_start3A_85 = arith.constant 0 : i32
      %dma_start3A_86 = tpu.memref_slice %arg8[%add3A_79, %dma_start3A_85] : memref<80x128xi32, #tpu.memory_space<vmem>> -> memref<1x128xi32, #tpu.memory_space<vmem>>
      %dma_start3A_87 = tpu.memref_squeeze %dma_start3A_86 : memref<1x128xi32, #tpu.memory_space<vmem>> -> memref<128xi32, #tpu.memory_space<vmem>>
      %dma_start3A_88 = arith.constant 0 : i32
      %dma_start3A_89 = tpu.memref_slice %arg11[%dma_start3A_88] : memref<10240xf32, #tpu.memory_space<vmem_shared>> -> memref<10240xf32, #tpu.memory_space<vmem_shared>>
      tpu.enqueue_indirect_dma source(%arg10 : memref<128xf32, #tpu.memory_space<vmem>>) target(%dma_start3A_89 : memref<10240xf32, #tpu.memory_space<vmem_shared>>) offsets(%dma_start3A_87 : memref<128xi32, #tpu.memory_space<vmem>>) semaphore(%arg14 : memref<!tpu.dma_semaphore, #tpu.memory_space<semaphore_mem>>) {add = true}
      %dma_start3A_90 = arith.constant 0 : i32
      %dma_start3A_91 = tpu.memref_slice %arg9[%add3A_79, %dma_start3A_90] : memref<80x128xi32, #tpu.memory_space<vmem>> -> memref<1x128xi32, #tpu.memory_space<vmem>>
      %dma_start3A_92 = tpu.memref_squeeze %dma_start3A_91 : memref<1x128xi32, #tpu.memory_space<vmem>> -> memref<128xi32, #tpu.memory_space<vmem>>
      %dma_start3A_93 = arith.constant 0 : i32
      %dma_start3A_94 = tpu.memref_slice %arg12[%dma_start3A_93] : memref<10240xf32, #tpu.memory_space<vmem_shared>> -> memref<10240xf32, #tpu.memory_space<vmem_shared>>
      tpu.enqueue_indirect_dma source(%arg10 : memref<128xf32, #tpu.memory_space<vmem>>) target(%dma_start3A_94 : memref<10240xf32, #tpu.memory_space<vmem_shared>>) offsets(%dma_start3A_92 : memref<128xi32, #tpu.memory_space<vmem>>) semaphore(%arg18 : memref<!tpu.dma_semaphore, #tpu.memory_space<semaphore_mem>>) {add = true}
      %mul3A_95 = arith.constant 4 : i32
      %mul3A_96 = arith.muli %scan3A_60, %mul3A_95 : i32
      %add3A_97 = arith.constant 2 : i32
      %add3A_98 = arith.addi %mul3A_96, %add3A_97 : i32
      %gt3A_99 = arith.constant 0 : i32
      %gt3A_100 = arith.cmpi sgt, %scan3A_60, %gt3A_99 : i32
      %convert_element_type3A_101 = arith.extui %gt3A_100 : i1 to i32
      %cond3A_102 = arith.constant 0 : i32
      %cond3A_103 = arith.cmpi ne, %convert_element_type3A_101, %cond3A_102 : i32
      scf.if %cond3A_103 {
        %dma_wait3A_133 = arith.constant 0 : i32
        %dma_wait3A_134 = tpu.memref_slice %arg4[%dma_wait3A_133] : memref<640xf32, #tpu.memory_space<hbm>> -> memref<128xf32, #tpu.memory_space<hbm>>
        %dma_wait3A_135 = arith.constant 0 : i32
        %dma_wait3A_136 = tpu.memref_slice %arg4[%dma_wait3A_135] : memref<640xf32, #tpu.memory_space<hbm>> -> memref<128xf32, #tpu.memory_space<hbm>>
        tpu.wait_dma2 semaphore(%arg15 : memref<!tpu.dma_semaphore, #tpu.memory_space<semaphore_mem>>) src(%dma_wait3A_136 : memref<128xf32, #tpu.memory_space<hbm>>) dst(%arg10 : memref<128xf32, #tpu.memory_space<vmem>>)
        %dma_wait3A_137 = arith.constant 0 : i32
        %dma_wait3A_138 = tpu.memref_slice %arg4[%dma_wait3A_137] : memref<640xf32, #tpu.memory_space<hbm>> -> memref<128xf32, #tpu.memory_space<hbm>>
        %dma_wait3A_139 = arith.constant 0 : i32
        %dma_wait3A_140 = tpu.memref_slice %arg4[%dma_wait3A_139] : memref<640xf32, #tpu.memory_space<hbm>> -> memref<128xf32, #tpu.memory_space<hbm>>
        tpu.wait_dma2 semaphore(%arg19 : memref<!tpu.dma_semaphore, #tpu.memory_space<semaphore_mem>>) src(%dma_wait3A_140 : memref<128xf32, #tpu.memory_space<hbm>>) dst(%arg10 : memref<128xf32, #tpu.memory_space<vmem>>)
      } else {
      }
      %dma_start3A_104 = arith.constant 0 : i32
      %dma_start3A_105 = tpu.memref_slice %arg8[%add3A_98, %dma_start3A_104] : memref<80x128xi32, #tpu.memory_space<vmem>> -> memref<1x128xi32, #tpu.memory_space<vmem>>
      %dma_start3A_106 = tpu.memref_squeeze %dma_start3A_105 : memref<1x128xi32, #tpu.memory_space<vmem>> -> memref<128xi32, #tpu.memory_space<vmem>>
      %dma_start3A_107 = arith.constant 0 : i32
      %dma_start3A_108 = tpu.memref_slice %arg11[%dma_start3A_107] : memref<10240xf32, #tpu.memory_space<vmem_shared>> -> memref<10240xf32, #tpu.memory_space<vmem_shared>>
      tpu.enqueue_indirect_dma source(%arg10 : memref<128xf32, #tpu.memory_space<vmem>>) target(%dma_start3A_108 : memref<10240xf32, #tpu.memory_space<vmem_shared>>) offsets(%dma_start3A_106 : memref<128xi32, #tpu.memory_space<vmem>>) semaphore(%arg15 : memref<!tpu.dma_semaphore, #tpu.memory_space<semaphore_mem>>) {add = true}
      %dma_start3A_109 = arith.constant 0 : i32
      %dma_start3A_110 = tpu.memref_slice %arg9[%add3A_98, %dma_start3A_109] : memref<80x128xi32, #tpu.memory_space<vmem>> -> memref<1x128xi32, #tpu.memory_space<vmem>>
      %dma_start3A_111 = tpu.memref_squeeze %dma_start3A_110 : memref<1x128xi32, #tpu.memory_space<vmem>> -> memref<128xi32, #tpu.memory_space<vmem>>
      %dma_start3A_112 = arith.constant 0 : i32
      %dma_start3A_113 = tpu.memref_slice %arg12[%dma_start3A_112] : memref<10240xf32, #tpu.memory_space<vmem_shared>> -> memref<10240xf32, #tpu.memory_space<vmem_shared>>
      tpu.enqueue_indirect_dma source(%arg10 : memref<128xf32, #tpu.memory_space<vmem>>) target(%dma_start3A_113 : memref<10240xf32, #tpu.memory_space<vmem_shared>>) offsets(%dma_start3A_111 : memref<128xi32, #tpu.memory_space<vmem>>) semaphore(%arg19 : memref<!tpu.dma_semaphore, #tpu.memory_space<semaphore_mem>>) {add = true}
      %mul3A_114 = arith.constant 4 : i32
      %mul3A_115 = arith.muli %scan3A_60, %mul3A_114 : i32
      %add3A_116 = arith.constant 3 : i32
      %add3A_117 = arith.addi %mul3A_115, %add3A_116 : i32
      %gt3A_118 = arith.constant 0 : i32
      %gt3A_119 = arith.cmpi sgt, %scan3A_60, %gt3A_118 : i32
      %convert_element_type3A_120 = arith.extui %gt3A_119 : i1 to i32
      %cond3A_121 = arith.constant 0 : i32
      %cond3A_122 = arith.cmpi ne, %convert_element_type3A_120, %cond3A_121 : i32
      scf.if %cond3A_122 {
        %dma_wait3A_133 = arith.constant 0 : i32
        %dma_wait3A_134 = tpu.memref_slice %arg4[%dma_wait3A_133] : memref<640xf32, #tpu.memory_space<hbm>> -> memref<128xf32, #tpu.memory_space<hbm>>
        %dma_wait3A_135 = arith.constant 0 : i32
        %dma_wait3A_136 = tpu.memref_slice %arg4[%dma_wait3A_135] : memref<640xf32, #tpu.memory_space<hbm>> -> memref<128xf32, #tpu.memory_space<hbm>>
        tpu.wait_dma2 semaphore(%arg16 : memref<!tpu.dma_semaphore, #tpu.memory_space<semaphore_mem>>) src(%dma_wait3A_136 : memref<128xf32, #tpu.memory_space<hbm>>) dst(%arg10 : memref<128xf32, #tpu.memory_space<vmem>>)
        %dma_wait3A_137 = arith.constant 0 : i32
        %dma_wait3A_138 = tpu.memref_slice %arg4[%dma_wait3A_137] : memref<640xf32, #tpu.memory_space<hbm>> -> memref<128xf32, #tpu.memory_space<hbm>>
        %dma_wait3A_139 = arith.constant 0 : i32
        %dma_wait3A_140 = tpu.memref_slice %arg4[%dma_wait3A_139] : memref<640xf32, #tpu.memory_space<hbm>> -> memref<128xf32, #tpu.memory_space<hbm>>
        tpu.wait_dma2 semaphore(%arg20 : memref<!tpu.dma_semaphore, #tpu.memory_space<semaphore_mem>>) src(%dma_wait3A_140 : memref<128xf32, #tpu.memory_space<hbm>>) dst(%arg10 : memref<128xf32, #tpu.memory_space<vmem>>)
      } else {
      }
      %dma_start3A_123 = arith.constant 0 : i32
      %dma_start3A_124 = tpu.memref_slice %arg8[%add3A_117, %dma_start3A_123] : memref<80x128xi32, #tpu.memory_space<vmem>> -> memref<1x128xi32, #tpu.memory_space<vmem>>
      %dma_start3A_125 = tpu.memref_squeeze %dma_start3A_124 : memref<1x128xi32, #tpu.memory_space<vmem>> -> memref<128xi32, #tpu.memory_space<vmem>>
      %dma_start3A_126 = arith.constant 0 : i32
      %dma_start3A_127 = tpu.memref_slice %arg11[%dma_start3A_126] : memref<10240xf32, #tpu.memory_space<vmem_shared>> -> memref<10240xf32, #tpu.memory_space<vmem_shared>>
      tpu.enqueue_indirect_dma source(%arg10 : memref<128xf32, #tpu.memory_space<vmem>>) target(%dma_start3A_127 : memref<10240xf32, #tpu.memory_space<vmem_shared>>) offsets(%dma_start3A_125 : memref<128xi32, #tpu.memory_space<vmem>>) semaphore(%arg16 : memref<!tpu.dma_semaphore, #tpu.memory_space<semaphore_mem>>) {add = true}
      %dma_start3A_128 = arith.constant 0 : i32
      %dma_start3A_129 = tpu.memref_slice %arg9[%add3A_117, %dma_start3A_128] : memref<80x128xi32, #tpu.memory_space<vmem>> -> memref<1x128xi32, #tpu.memory_space<vmem>>
      %dma_start3A_130 = tpu.memref_squeeze %dma_start3A_129 : memref<1x128xi32, #tpu.memory_space<vmem>> -> memref<128xi32, #tpu.memory_space<vmem>>
      %dma_start3A_131 = arith.constant 0 : i32
      %dma_start3A_132 = tpu.memref_slice %arg12[%dma_start3A_131] : memref<10240xf32, #tpu.memory_space<vmem_shared>> -> memref<10240xf32, #tpu.memory_space<vmem_shared>>
      tpu.enqueue_indirect_dma source(%arg10 : memref<128xf32, #tpu.memory_space<vmem>>) target(%dma_start3A_132 : memref<10240xf32, #tpu.memory_space<vmem_shared>>) offsets(%dma_start3A_130 : memref<128xi32, #tpu.memory_space<vmem>>) semaphore(%arg20 : memref<!tpu.dma_semaphore, #tpu.memory_space<semaphore_mem>>) {add = true}
    }
    %scan3A_13 = arith.constant 20 : i32
    %dma_wait3A = arith.constant 0 : i32
    %dma_wait3A_14 = tpu.memref_slice %arg4[%dma_wait3A] : memref<640xf32, #tpu.memory_space<hbm>> -> memref<128xf32, #tpu.memory_space<hbm>>
    %dma_wait3A_15 = arith.constant 0 : i32
    %dma_wait3A_16 = tpu.memref_slice %arg4[%dma_wait3A_15] : memref<640xf32, #tpu.memory_space<hbm>> -> memref<128xf32, #tpu.memory_space<hbm>>
    tpu.wait_dma2 semaphore(%arg13 : memref<!tpu.dma_semaphore, #tpu.memory_space<semaphore_mem>>) src(%dma_wait3A_16 : memref<128xf32, #tpu.memory_space<hbm>>) dst(%arg10 : memref<128xf32, #tpu.memory_space<vmem>>)
    %dma_wait3A_17 = arith.constant 0 : i32
    %dma_wait3A_18 = tpu.memref_slice %arg4[%dma_wait3A_17] : memref<640xf32, #tpu.memory_space<hbm>> -> memref<128xf32, #tpu.memory_space<hbm>>
    %dma_wait3A_19 = arith.constant 0 : i32
    %dma_wait3A_20 = tpu.memref_slice %arg4[%dma_wait3A_19] : memref<640xf32, #tpu.memory_space<hbm>> -> memref<128xf32, #tpu.memory_space<hbm>>
    tpu.wait_dma2 semaphore(%arg17 : memref<!tpu.dma_semaphore, #tpu.memory_space<semaphore_mem>>) src(%dma_wait3A_20 : memref<128xf32, #tpu.memory_space<hbm>>) dst(%arg10 : memref<128xf32, #tpu.memory_space<vmem>>)
    %dma_wait3A_21 = arith.constant 0 : i32
    %dma_wait3A_22 = tpu.memref_slice %arg4[%dma_wait3A_21] : memref<640xf32, #tpu.memory_space<hbm>> -> memref<128xf32, #tpu.memory_space<hbm>>
    %dma_wait3A_23 = arith.constant 0 : i32
    %dma_wait3A_24 = tpu.memref_slice %arg4[%dma_wait3A_23] : memref<640xf32, #tpu.memory_space<hbm>> -> memref<128xf32, #tpu.memory_space<hbm>>
    tpu.wait_dma2 semaphore(%arg14 : memref<!tpu.dma_semaphore, #tpu.memory_space<semaphore_mem>>) src(%dma_wait3A_24 : memref<128xf32, #tpu.memory_space<hbm>>) dst(%arg10 : memref<128xf32, #tpu.memory_space<vmem>>)
    %dma_wait3A_25 = arith.constant 0 : i32
    %dma_wait3A_26 = tpu.memref_slice %arg4[%dma_wait3A_25] : memref<640xf32, #tpu.memory_space<hbm>> -> memref<128xf32, #tpu.memory_space<hbm>>
    %dma_wait3A_27 = arith.constant 0 : i32
    %dma_wait3A_28 = tpu.memref_slice %arg4[%dma_wait3A_27] : memref<640xf32, #tpu.memory_space<hbm>> -> memref<128xf32, #tpu.memory_space<hbm>>
    tpu.wait_dma2 semaphore(%arg18 : memref<!tpu.dma_semaphore, #tpu.memory_space<semaphore_mem>>) src(%dma_wait3A_28 : memref<128xf32, #tpu.memory_space<hbm>>) dst(%arg10 : memref<128xf32, #tpu.memory_space<vmem>>)
    %dma_wait3A_29 = arith.constant 0 : i32
    %dma_wait3A_30 = tpu.memref_slice %arg4[%dma_wait3A_29] : memref<640xf32, #tpu.memory_space<hbm>> -> memref<128xf32, #tpu.memory_space<hbm>>
    %dma_wait3A_31 = arith.constant 0 : i32
    %dma_wait3A_32 = tpu.memref_slice %arg4[%dma_wait3A_31] : memref<640xf32, #tpu.memory_space<hbm>> -> memref<128xf32, #tpu.memory_space<hbm>>
    tpu.wait_dma2 semaphore(%arg15 : memref<!tpu.dma_semaphore, #tpu.memory_space<semaphore_mem>>) src(%dma_wait3A_32 : memref<128xf32, #tpu.memory_space<hbm>>) dst(%arg10 : memref<128xf32, #tpu.memory_space<vmem>>)
    %dma_wait3A_33 = arith.constant 0 : i32
    %dma_wait3A_34 = tpu.memref_slice %arg4[%dma_wait3A_33] : memref<640xf32, #tpu.memory_space<hbm>> -> memref<128xf32, #tpu.memory_space<hbm>>
    %dma_wait3A_35 = arith.constant 0 : i32
    %dma_wait3A_36 = tpu.memref_slice %arg4[%dma_wait3A_35] : memref<640xf32, #tpu.memory_space<hbm>> -> memref<128xf32, #tpu.memory_space<hbm>>
    tpu.wait_dma2 semaphore(%arg19 : memref<!tpu.dma_semaphore, #tpu.memory_space<semaphore_mem>>) src(%dma_wait3A_36 : memref<128xf32, #tpu.memory_space<hbm>>) dst(%arg10 : memref<128xf32, #tpu.memory_space<vmem>>)
    %dma_wait3A_37 = arith.constant 0 : i32
    %dma_wait3A_38 = tpu.memref_slice %arg4[%dma_wait3A_37] : memref<640xf32, #tpu.memory_space<hbm>> -> memref<128xf32, #tpu.memory_space<hbm>>
    %dma_wait3A_39 = arith.constant 0 : i32
    %dma_wait3A_40 = tpu.memref_slice %arg4[%dma_wait3A_39] : memref<640xf32, #tpu.memory_space<hbm>> -> memref<128xf32, #tpu.memory_space<hbm>>
    tpu.wait_dma2 semaphore(%arg16 : memref<!tpu.dma_semaphore, #tpu.memory_space<semaphore_mem>>) src(%dma_wait3A_40 : memref<128xf32, #tpu.memory_space<hbm>>) dst(%arg10 : memref<128xf32, #tpu.memory_space<vmem>>)
    %dma_wait3A_41 = arith.constant 0 : i32
    %dma_wait3A_42 = tpu.memref_slice %arg4[%dma_wait3A_41] : memref<640xf32, #tpu.memory_space<hbm>> -> memref<128xf32, #tpu.memory_space<hbm>>
    %dma_wait3A_43 = arith.constant 0 : i32
    %dma_wait3A_44 = tpu.memref_slice %arg4[%dma_wait3A_43] : memref<640xf32, #tpu.memory_space<hbm>> -> memref<128xf32, #tpu.memory_space<hbm>>
    tpu.wait_dma2 semaphore(%arg20 : memref<!tpu.dma_semaphore, #tpu.memory_space<semaphore_mem>>) src(%dma_wait3A_44 : memref<128xf32, #tpu.memory_space<hbm>>) dst(%arg10 : memref<128xf32, #tpu.memory_space<vmem>>)
    %barrier3A_45 = arith.constant 0 : index
    tpu.barrier barrier_id(%barrier3A_45)
    %mul3A_46 = arith.constant 640 : i32
    %mul3A_47 = arith.muli %arg1, %mul3A_46 : i32
    %mul3A_48 = arith.constant 10240 : i32
    %mul3A_49 = arith.muli %arg0, %mul3A_48 : i32
    %mul3A_50 = arith.constant 640 : i32
    %mul3A_51 = arith.muli %arg1, %mul3A_50 : i32
    %add3A_52 = arith.addi %mul3A_49, %mul3A_51 : i32
    "tpu.region"() ({
      %run_scoped3A = tpu.sem_alloc : memref<!tpu.dma_semaphore, #tpu.memory_space<semaphore_mem>>
      %dma_start3A = tpu.memref_slice %arg6[%add3A_52] : memref<20480xf32, #tpu.memory_space<hbm>> -> memref<640xf32, #tpu.memory_space<hbm>>
      %dma_start3A_60 = tpu.memref_slice %arg11[%mul3A_47] : memref<10240xf32, #tpu.memory_space<vmem_shared>> -> memref<640xf32, #tpu.memory_space<vmem_shared>>
      tpu.enqueue_dma source(%dma_start3A_60 : memref<640xf32, #tpu.memory_space<vmem_shared>>) target(%dma_start3A : memref<640xf32, #tpu.memory_space<hbm>>) target_semaphore(%run_scoped3A : memref<!tpu.dma_semaphore, #tpu.memory_space<semaphore_mem>>)
      %dma_wait3A_61 = tpu.memref_slice %arg6[%add3A_52] : memref<20480xf32, #tpu.memory_space<hbm>> -> memref<640xf32, #tpu.memory_space<hbm>>
      %dma_wait3A_62 = tpu.memref_slice %arg11[%mul3A_47] : memref<10240xf32, #tpu.memory_space<vmem_shared>> -> memref<640xf32, #tpu.memory_space<vmem_shared>>
      tpu.wait_dma2 semaphore(%run_scoped3A : memref<!tpu.dma_semaphore, #tpu.memory_space<semaphore_mem>>) src(%dma_wait3A_62 : memref<640xf32, #tpu.memory_space<vmem_shared>>) dst(%dma_wait3A_61 : memref<640xf32, #tpu.memory_space<hbm>>)
      tpu.yield
    }) : () -> ()
    %mul3A_53 = arith.constant 640 : i32
    %mul3A_54 = arith.muli %arg1, %mul3A_53 : i32
    %mul3A_55 = arith.constant 10240 : i32
    %mul3A_56 = arith.muli %arg0, %mul3A_55 : i32
    %mul3A_57 = arith.constant 640 : i32
    %mul3A_58 = arith.muli %arg1, %mul3A_57 : i32
    %add3A_59 = arith.addi %mul3A_56, %mul3A_58 : i32
    "tpu.region"() ({
      %run_scoped3A = tpu.sem_alloc : memref<!tpu.dma_semaphore, #tpu.memory_space<semaphore_mem>>
      %dma_start3A = tpu.memref_slice %arg7[%add3A_59] : memref<20480xf32, #tpu.memory_space<hbm>> -> memref<640xf32, #tpu.memory_space<hbm>>
      %dma_start3A_60 = tpu.memref_slice %arg12[%mul3A_54] : memref<10240xf32, #tpu.memory_space<vmem_shared>> -> memref<640xf32, #tpu.memory_space<vmem_shared>>
      tpu.enqueue_dma source(%dma_start3A_60 : memref<640xf32, #tpu.memory_space<vmem_shared>>) target(%dma_start3A : memref<640xf32, #tpu.memory_space<hbm>>) target_semaphore(%run_scoped3A : memref<!tpu.dma_semaphore, #tpu.memory_space<semaphore_mem>>)
      %dma_wait3A_61 = tpu.memref_slice %arg7[%add3A_59] : memref<20480xf32, #tpu.memory_space<hbm>> -> memref<640xf32, #tpu.memory_space<hbm>>
      %dma_wait3A_62 = tpu.memref_slice %arg12[%mul3A_54] : memref<10240xf32, #tpu.memory_space<vmem_shared>> -> memref<640xf32, #tpu.memory_space<vmem_shared>>
      tpu.wait_dma2 semaphore(%run_scoped3A : memref<!tpu.dma_semaphore, #tpu.memory_space<semaphore_mem>>) src(%dma_wait3A_62 : memref<640xf32, #tpu.memory_space<vmem_shared>>) dst(%dma_wait3A_61 : memref<640xf32, #tpu.memory_space<hbm>>)
      tpu.yield
    }) : () -> ()
    return
  }
}

module attributes {stable_mosaic.version = 14 : i64} {
  func.func @_norm_body(%arg0: i32, %arg1: memref<1000x128xf32, #tpu.memory_space<vmem>>, %arg2: memref<1000x1xf32, #tpu.memory_space<vmem>>, %arg3: memref<1000x1xf32, #tpu.memory_space<vmem>>, %arg4: memref<1000x1xf32, #tpu.memory_space<vmem>>, %arg5: memref<1000x1xf32, #tpu.memory_space<vmem>>, %arg6: memref<1000x128xf32, #tpu.memory_space<vmem>>, %arg7: memref<1000x1xf32, #tpu.memory_space<vmem>>) attributes {dimension_semantics = [#tpu.dimension_semantics<arbitrary>], iteration_bounds = array<i64: 10>, scalar_prefetch = 0 : i64, scratch_operands = 0 : i64, tpu.core_type = #tpu.core_type<tc>, window_params = [{transform_indices = @transform_0, window_bounds = array<i64: 1000, 128>}, {transform_indices = @transform_1, window_bounds = array<i64: 1000, 1>}, {transform_indices = @transform_2, window_bounds = array<i64: 1000, 1>}, {transform_indices = @transform_3, window_bounds = array<i64: 1000, 1>}, {transform_indices = @transform_4, window_bounds = array<i64: 1000, 1>}, {transform_indices = @transform_5, window_bounds = array<i64: 1000, 128>}, {transform_indices = @transform_6, window_bounds = array<i64: 1000, 1>}]} {
    %get3A = arith.constant 0 : index
    %get3A_0 = arith.constant 0 : index
    %get3A_1 = vector.load %arg2[%get3A, %get3A_0] : memref<1000x1xf32, #tpu.memory_space<vmem>>, vector<1000x1xf32>
    %get3A_2 = arith.constant 0 : index
    %get3A_3 = arith.constant 0 : index
    %get3A_4 = vector.load %arg3[%get3A_2, %get3A_3] : memref<1000x1xf32, #tpu.memory_space<vmem>>, vector<1000x1xf32>
    %add3A = arith.addf %get3A_1, %get3A_4 : vector<1000x1xf32>
    %add3A_5 = arith.constant 1.000000e+00 : f32
    %add3A_6 = vector.broadcast %add3A_5 : f32 to vector<1000x1xf32>
    %add3A_7 = arith.addf %add3A, %add3A_6 : vector<1000x1xf32>
    %get3A_8 = arith.constant 0 : index
    %get3A_9 = arith.constant 0 : index
    %get3A_10 = vector.load %arg4[%get3A_8, %get3A_9] : memref<1000x1xf32, #tpu.memory_space<vmem>>, vector<1000x1xf32>
    %get3A_11 = arith.constant 0 : index
    %get3A_12 = arith.constant 0 : index
    %get3A_13 = vector.load %arg5[%get3A_11, %get3A_12] : memref<1000x1xf32, #tpu.memory_space<vmem>>, vector<1000x1xf32>
    %add3A_14 = arith.addf %get3A_10, %get3A_13 : vector<1000x1xf32>
    %add3A_15 = arith.constant 1.000000e+00 : f32
    %add3A_16 = vector.broadcast %add3A_15 : f32 to vector<1000x1xf32>
    %add3A_17 = arith.addf %add3A_14, %add3A_16 : vector<1000x1xf32>
    %get3A_18 = arith.constant 0 : index
    %get3A_19 = arith.constant 0 : index
    %get3A_20 = vector.load %arg1[%get3A_18, %get3A_19] : memref<1000x128xf32, #tpu.memory_space<vmem>>, vector<1000x128xf32>
    %rsqrt3A = math.rsqrt %add3A_7 : vector<1000x1xf32>
    %mul3A = vector.broadcast %rsqrt3A : vector<1000x1xf32> to vector<1000x128xf32>
    %mul3A_21 = arith.mulf %get3A_20, %mul3A : vector<1000x128xf32>
    %swap3A = arith.constant 0 : index
    %swap3A_22 = arith.constant 0 : index
    %swap3A_23 = vector.load %arg6[%swap3A, %swap3A_22] : memref<1000x128xf32, #tpu.memory_space<vmem>>, vector<1000x128xf32>
    tpu.vector_store %arg6[%swap3A, %swap3A_22], %mul3A_21 {strides = array<i32>} : memref<1000x128xf32, #tpu.memory_space<vmem>>, vector<1000x128xf32>,
    %rsqrt3A_24 = math.rsqrt %add3A_17 : vector<1000x1xf32>
    %swap3A_25 = arith.constant 0 : index
    %swap3A_26 = arith.constant 0 : index
    %swap3A_27 = vector.load %arg7[%swap3A_25, %swap3A_26] : memref<1000x1xf32, #tpu.memory_space<vmem>>, vector<1000x1xf32>
    tpu.vector_store %arg7[%swap3A_25, %swap3A_26], %rsqrt3A_24 {strides = array<i32>} : memref<1000x1xf32, #tpu.memory_space<vmem>>, vector<1000x1xf32>,
    return
  }
  func.func @transform_0(%arg0: i32) -> (i32, i32) {
    %c0_i32 = arith.constant 0 : i32
    %c0_i32_0 = arith.constant 0 : i32
    return %arg0, %c0_i32 : i32, i32
  }
  func.func @transform_1(%arg0: i32) -> (i32, i32) {
    %c0_i32 = arith.constant 0 : i32
    %c0_i32_0 = arith.constant 0 : i32
    return %arg0, %c0_i32 : i32, i32
  }
  func.func @transform_2(%arg0: i32) -> (i32, i32) {
    %c0_i32 = arith.constant 0 : i32
    %c0_i32_0 = arith.constant 0 : i32
    return %arg0, %c0_i32 : i32, i32
  }
  func.func @transform_3(%arg0: i32) -> (i32, i32) {
    %c0_i32 = arith.constant 0 : i32
    %c0_i32_0 = arith.constant 0 : i32
    return %arg0, %c0_i32 : i32, i32
  }
  func.func @transform_4(%arg0: i32) -> (i32, i32) {
    %c0_i32 = arith.constant 0 : i32
    %c0_i32_0 = arith.constant 0 : i32
    return %arg0, %c0_i32 : i32, i32
  }
  func.func @transform_5(%arg0: i32) -> (i32, i32) {
    %c0_i32 = arith.constant 0 : i32
    %c0_i32_0 = arith.constant 0 : i32
    return %arg0, %c0_i32 : i32, i32
  }
  func.func @transform_6(%arg0: i32) -> (i32, i32) {
    %c0_i32 = arith.constant 0 : i32
    %c0_i32_0 = arith.constant 0 : i32
    return %arg0, %c0_i32 : i32, i32
  }
}

module attributes {stable_mosaic.version = 14 : i64} {
  func.func @_mlp_body(%arg0: i32, %arg1: memref<640x128xf32, #tpu.memory_space<vmem>>, %arg2: memref<640x128xf32, #tpu.memory_space<vmem>>, %arg3: memref<640x1xf32, #tpu.memory_space<vmem>>, %arg4: memref<128x256xf32, #tpu.memory_space<vmem>>, %arg5: memref<1x256xf32, #tpu.memory_space<vmem>>, %arg6: memref<256x128xf32, #tpu.memory_space<vmem>>, %arg7: memref<1x128xf32, #tpu.memory_space<vmem>>, %arg8: memref<640x128xf32, #tpu.memory_space<vmem>>) attributes {dimension_semantics = [#tpu.dimension_semantics<arbitrary>], iteration_bounds = array<i64: 16>, scalar_prefetch = 0 : i64, scratch_operands = 0 : i64, tpu.core_type = #tpu.core_type<tc>, window_params = [{transform_indices = @transform_0, window_bounds = array<i64: 640, 128>}, {transform_indices = @transform_1, window_bounds = array<i64: 640, 128>}, {transform_indices = @transform_2, window_bounds = array<i64: 640, 1>}, {pipeline_mode = #tpu.pipeline_mode<synchronous>, transform_indices = @transform_3, window_bounds = array<i64: 128, 256>}, {pipeline_mode = #tpu.pipeline_mode<synchronous>, transform_indices = @transform_4, window_bounds = array<i64: 1, 256>}, {pipeline_mode = #tpu.pipeline_mode<synchronous>, transform_indices = @transform_5, window_bounds = array<i64: 256, 128>}, {pipeline_mode = #tpu.pipeline_mode<synchronous>, transform_indices = @transform_6, window_bounds = array<i64: 1, 128>}, {transform_indices = @transform_7, window_bounds = array<i64: 640, 128>}]} {
    %get3A = arith.constant 0 : index
    %get3A_0 = arith.constant 0 : index
    %get3A_1 = vector.load %arg1[%get3A, %get3A_0] : memref<640x128xf32, #tpu.memory_space<vmem>>, vector<640x128xf32>
    %get3A_2 = arith.constant 0 : index
    %get3A_3 = arith.constant 0 : index
    %get3A_4 = vector.load %arg2[%get3A_2, %get3A_3] : memref<640x128xf32, #tpu.memory_space<vmem>>, vector<640x128xf32>
    %add3A = arith.addf %get3A_1, %get3A_4 : vector<640x128xf32>
    %get3A_5 = arith.constant 0 : index
    %get3A_6 = arith.constant 0 : index
    %get3A_7 = vector.load %arg3[%get3A_5, %get3A_6] : memref<640x1xf32, #tpu.memory_space<vmem>>, vector<640x1xf32>
    %mul3A = vector.broadcast %get3A_7 : vector<640x1xf32> to vector<640x128xf32>
    %mul3A_8 = arith.mulf %add3A, %mul3A : vector<640x128xf32>
    %get3A_9 = arith.constant 0 : index
    %get3A_10 = arith.constant 0 : index
    %get3A_11 = vector.load %arg4[%get3A_9, %get3A_10] : memref<128x256xf32, #tpu.memory_space<vmem>>, vector<128x256xf32>
    %dot_general3A = arith.constant dense<0.000000e+00> : vector<640x256xf32>
    %dot_general3A_12 = tpu.matmul %mul3A_8, %get3A_11, %dot_general3A {dimension_numbers = #tpu.dot_dimension_numbers<[1], [0], [0], [1], [0, 0, 1, 1], [], []>, transpose_lhs_hint = false} : vector<640x128xf32>, vector<128x256xf32>, vector<640x256xf32> -> vector<640x256xf32>
    %get3A_13 = arith.constant 0 : index
    %get3A_14 = arith.constant 0 : index
    %get3A_15 = vector.load %arg5[%get3A_13, %get3A_14] : memref<1x256xf32, #tpu.memory_space<vmem>>, vector<1x256xf32>
    %add3A_16 = vector.broadcast %get3A_15 : vector<1x256xf32> to vector<640x256xf32>
    %add3A_17 = arith.addf %dot_general3A_12, %add3A_16 : vector<640x256xf32>
    %max3A = arith.constant 0.000000e+00 : f32
    %max3A_18 = vector.broadcast %max3A : f32 to vector<640x256xf32>
    %max3A_19 = arith.maximumf %add3A_17, %max3A_18 : vector<640x256xf32>
    %get3A_20 = arith.constant 0 : index
    %get3A_21 = arith.constant 0 : index
    %get3A_22 = vector.load %arg6[%get3A_20, %get3A_21] : memref<256x128xf32, #tpu.memory_space<vmem>>, vector<256x128xf32>
    %dot_general3A_23 = arith.constant dense<0.000000e+00> : vector<640x128xf32>
    %dot_general3A_24 = tpu.matmul %max3A_19, %get3A_22, %dot_general3A_23 {dimension_numbers = #tpu.dot_dimension_numbers<[1], [0], [0], [1], [0, 0, 1, 1], [], []>, transpose_lhs_hint = false} : vector<640x256xf32>, vector<256x128xf32>, vector<640x128xf32> -> vector<640x128xf32>
    %get3A_25 = arith.constant 0 : index
    %get3A_26 = arith.constant 0 : index
    %get3A_27 = vector.load %arg7[%get3A_25, %get3A_26] : memref<1x128xf32, #tpu.memory_space<vmem>>, vector<1x128xf32>
    %add3A_28 = vector.broadcast %get3A_27 : vector<1x128xf32> to vector<640x128xf32>
    %add3A_29 = arith.addf %dot_general3A_24, %add3A_28 : vector<640x128xf32>
    %reduce_max3A = arith.constant dense<0xFF800000> : vector<640xf32>
    %reduce_max3A_30 = vector.multi_reduction <maximumf>, %add3A_29, %reduce_max3A [1] : vector<640x128xf32> to vector<640xf32>
    %broadcast_in_dim3A = vector.shape_cast %reduce_max3A_30 : vector<640xf32> to vector<640x1xf32>
    %sub3A = vector.broadcast %broadcast_in_dim3A : vector<640x1xf32> to vector<640x128xf32>
    %sub3A_31 = arith.subf %add3A_29, %sub3A : vector<640x128xf32>
    %exp3A = math.exp %sub3A_31 : vector<640x128xf32>
    %reduce_sum3A = arith.constant dense<0.000000e+00> : vector<640xf32>
    %reduce_sum3A_32 = vector.multi_reduction <add>, %exp3A, %reduce_sum3A [1] : vector<640x128xf32> to vector<640xf32>
    %broadcast_in_dim3A_33 = vector.shape_cast %reduce_sum3A_32 : vector<640xf32> to vector<640x1xf32>
    %sub3A_34 = vector.broadcast %broadcast_in_dim3A : vector<640x1xf32> to vector<640x128xf32>
    %sub3A_35 = arith.subf %add3A_29, %sub3A_34 : vector<640x128xf32>
    %log3A = math.log %broadcast_in_dim3A_33 : vector<640x1xf32>
    %sub3A_36 = vector.broadcast %log3A : vector<640x1xf32> to vector<640x128xf32>
    %sub3A_37 = arith.subf %sub3A_35, %sub3A_36 : vector<640x128xf32>
    %swap3A = arith.constant 0 : index
    %swap3A_38 = arith.constant 0 : index
    %swap3A_39 = vector.load %arg8[%swap3A, %swap3A_38] : memref<640x128xf32, #tpu.memory_space<vmem>>, vector<640x128xf32>
    tpu.vector_store %arg8[%swap3A, %swap3A_38], %sub3A_37 {strides = array<i32>} : memref<640x128xf32, #tpu.memory_space<vmem>>, vector<640x128xf32>,
    return
  }
  func.func @transform_0(%arg0: i32) -> (i32, i32) {
    %c0_i32 = arith.constant 0 : i32
    %c0_i32_0 = arith.constant 0 : i32
    return %arg0, %c0_i32 : i32, i32
  }
  func.func @transform_1(%arg0: i32) -> (i32, i32) {
    %add3A = arith.constant 16 : i32
    %add3A_0 = arith.addi %arg0, %add3A : i32
    %c0_i32 = arith.constant 0 : i32
    %c0_i32_1 = arith.constant 0 : i32
    return %add3A_0, %c0_i32 : i32, i32
  }
  func.func @transform_2(%arg0: i32) -> (i32, i32) {
    %c0_i32 = arith.constant 0 : i32
    %c0_i32_0 = arith.constant 0 : i32
    return %arg0, %c0_i32 : i32, i32
  }
  func.func @transform_3(%arg0: i32) -> (i32, i32) {
    %c0_i32 = arith.constant 0 : i32
    %c0_i32_0 = arith.constant 0 : i32
    %c0_i32_1 = arith.constant 0 : i32
    return %c0_i32, %c0_i32_0 : i32, i32
  }
  func.func @transform_4(%arg0: i32) -> (i32, i32) {
    %c0_i32 = arith.constant 0 : i32
    %c0_i32_0 = arith.constant 0 : i32
    %c0_i32_1 = arith.constant 0 : i32
    return %c0_i32, %c0_i32_0 : i32, i32
  }
  func.func @transform_5(%arg0: i32) -> (i32, i32) {
    %c0_i32 = arith.constant 0 : i32
    %c0_i32_0 = arith.constant 0 : i32
    %c0_i32_1 = arith.constant 0 : i32
    return %c0_i32, %c0_i32_0 : i32, i32
  }
  func.func @transform_6(%arg0: i32) -> (i32, i32) {
    %c0_i32 = arith.constant 0 : i32
    %c0_i32_0 = arith.constant 0 : i32
    %c0_i32_1 = arith.constant 0 : i32
    return %c0_i32, %c0_i32_0 : i32, i32
  }
  func.func @transform_7(%arg0: i32) -> (i32, i32) {
    %c0_i32 = arith.constant 0 : i32
    %c0_i32_0 = arith.constant 0 : i32
    return %arg0, %c0_i32 : i32, i32
  }
}

</mosaic_0001>

<sc_bundles>
// kernel: kernel.6.cloned.1.call-start
scs
__scs_entry_jumppad:
0x0: {  	(pc) =	sbr.rel $0x88, $3  }
0x1: {  	(tag) =	ssettag $0x0;
	lr =	simm.s32 $0x1  }
0x2: {  	[smem:$0x3F9B] =	sst lr;
	_ =	strace $0xD0000000  }
0x3: {  	_ = 	snop  }
0x4: {  	_ = 	snop  }
0x5: {  	_ = 	snop  }
0x6: {  	_ = 	snop  }
0x7: {  	_ = 	snop  }
__scs_overlays_trampoline_lowered:
0x8: {  	[smem:$0x3FAA] =	sst s0  }
0x9: {  	[smem:$0x3FAB] =	sst s1  }
0xa: {  	[smem:$0x3FAC] =	sst s2  }
0xb: {  	[smem:$0x3FAD] =	sst s3  }
0xc: {  	[smem:$0x3FAE] =	sst s4  }
0xd: {  	[smem:$0x3FAF] =	sst s5  }
0xe: {  	[smem:$0x3FB0] =	sst s6  }
0xf: {  	[smem:$0x3FB1] =	sst s7  }
0x10: {  	[smem:$0x3FB2] =	sst s8  }
0x11: {  	[smem:$0x3FB3] =	sst s9;
	s0 =	simm.s32 @!p0 $0x0  }
0x12: {  	s1 =	sld [smem:$0x3F99];
	s0 =	simm.s32 @p0 $0x1  }
0x13: {  	[smem:$0x3FB4] =	sst s0;
	s0 =	simm.s32 @!p1 $0x0  }
0x14: {  	s2 =	sld [smem:$0x3F98];
	s0 =	simm.s32 @p1 $0x1  }
0x15: {  	[smem:$0x3FB5] =	sst s0;
	s0 =	simm.s32 @!p2 $0x0  }
0x16: {  	s3 =	sld [smem:$0x3FDB];
	s0 =	simm.s32 @p2 $0x1  }
0x17: {  	s4 =	simm.s32 $0x1BF5;
	[smem:$0x3FB7] =	sst s0  }
0x18: {  	s0 =	sld [smem:$0x3F9A];
	_ =	swait.ge [sflag:s4], $0x0  }
0x19: {  	s7 =	sld [smem:$0x3F9B]  }
0x1a: {  	s8 =	sadd.s32 $0xFFFFE003, lr  }
0x1b: {  	s9 =	sadd.s32 $0xFFFFFEF7, lr;
	s5 =	simm.s32 $0xFFFFFFFF;
	p2 =	slt.u32 s8, $0xFFFFF086  }
0x1c: {  	p1 =	slt.u32 s9, $0xF7A;
	s5 =	simm.s32 @!p2 $0x0  }
0x1d: {  	s5 =	simm.s32 @p1 $0x1;
	p0 =	seq.s32 s7, s2  }
0x1e: {  	s7 =	smul.u32 @!p0 $0xF7A, s2;
	p2 =	seq.s32 @!p0 s5, $0x0  }
0x1f: {  	s9 =	smul.u32 $0xF7A, s1;
	s8 =	simm.s32 @!p0 $0x1BF5;
	p2 =	por !p2, p0  }
0x20: {  	[sflag:s8] =	ssyncset.s32 @!p0 $0xFFFFF086;
	s6 =	sadd.s32 @!p0 s3, s7;
	s7 =	simm.s32 @!p0 $0x108  }
0x21: {  	s3 =	sadd.s32 s3, s9;
	s6 =	sadd.s32 @!p0 $0x88, s6;
	s7 =	simm.s32 @p2 $0x1082  }
0x22: {  	[simem:s7], [sflag:s8] =	dma.local @!p0 [hbm:s6], $0xF7A  }
0x23: {  	s9 =	sor.u32 $0xD0000000, s2;
	s6 =	simm.s32 $0x108;
	_ =	swait.ge @!p0 [sflag:s8], $0x0  }
0x24: {  	s3 =	sadd.s32 $0x88, s3;
	s6 =	simm.s32 @!p1 $0x1082;
	[sflag:s4] =	ssyncset.s32 $0xFFFFF086  }
0x25: {  	[simem:s6], [sflag:s4] =	dma.local [hbm:s3], $0xF7A  }
0x26: {  	[smem:$0x3F9B] =	sst s1;
	(tag) =	ssettag s2;
	_ =	strace s9  }
0x27: {  	s1 =	sld [smem:$0x3FAB]  }
0x28: {  	s2 =	sld [smem:$0x3FAC]  }
0x29: {  	s4 =	sld [smem:$0x3FAE]  }
0x2a: {  	p0 =	seq.s32 s5, $0x0;
	s5 =	sld [smem:$0x3FAF]  }
0x2b: {  	s6 =	sld [smem:$0x3FB0]  }
0x2c: {  	s7 =	sld [smem:$0x3FB1]  }
0x2d: {  	s3 =	simm.s32 $0x108;
	s8 =	sld [smem:$0x3FB2]  }
0x2e: {  	s3 =	simm.s32 @!p0 $0x1082;
	s9 =	sld [smem:$0x3FB3]  }
0x2f: {  	lr =	sadd.s32 s0, s3;
	s0 =	sld [smem:$0x3FAA]  }
0x30: {  	s3 =	sld [smem:$0x3FAD]  }
0x31: {  	[smem:$0x3FB6] =	sst s10  }
0x32: {  	s10 =	sld [smem:$0x3FB4];
	_ =	sdelay $0x3  }
0x33: {  	p0 =	seq.s32 s10, $0x1;
	s10 =	sld [smem:$0x3FB6];
	_ =	sdelay $0x3  }
0x34: {  	[smem:$0x3FB6] =	sst s10  }
0x35: {  	s10 =	sld [smem:$0x3FB5];
	_ =	sdelay $0x3  }
0x36: {  	p1 =	seq.s32 s10, $0x1;
	s10 =	sld [smem:$0x3FB6];
	_ =	sdelay $0x3  }
0x37: {  	[smem:$0x3FB6] =	sst s10  }
0x38: {  	s10 =	sld [smem:$0x3FB7]  }
0x39: {  	_ = 	snop;
	(pc) =	sbr.ind lr, $3  }
0x3a: {  	_ = 	snop  }
0x3b: {  	_ = 	snop  }
0x3c: {  	p2 =	seq.s32 s10, $0x1;
	s10 =	sld [smem:$0x3FB6]  }
0x3d: {  	_ =	shalt  }
0x3e: {  	_ =	shalt  }
0x3f: {  	_ =	shalt  }
0x40: {  	_ =	shalt  }
0x41: {  	_ =	shalt  }
0x42: {  	_ =	shalt  }
0x43: {  	_ =	shalt  }
0x44: {  	_ =	shalt  }
0x45: {  	_ =	shalt  }
0x46: {  	_ =	shalt  }
0x47: {  	_ =	shalt  }
0x48: {  	_ =	shalt  }
0x49: {  	_ =	shalt  }
0x4a: {  	_ =	shalt  }
0x4b: {  	_ =	shalt  }
0x4c: {  	_ =	shalt  }
0x4d: {  	_ =	shalt  }
0x4e: {  	_ =	shalt  }
0x4f: {  	_ =	shalt  }
0x50: {  	_ =	shalt  }
0x51: {  	_ =	shalt  }
0x52: {  	_ =	shalt  }
0x53: {  	_ =	shalt  }
0x54: {  	_ =	shalt  }
0x55: {  	_ =	shalt  }
0x56: {  	_ =	shalt  }
0x57: {  	_ =	shalt  }
0x58: {  	_ =	shalt  }
0x59: {  	_ =	shalt  }
0x5a: {  	_ =	shalt  }
0x5b: {  	_ =	shalt  }
0x5c: {  	_ =	shalt  }
0x5d: {  	_ =	shalt  }
0x5e: {  	_ =	shalt  }
0x5f: {  	_ =	shalt  }
0x60: {  	_ =	shalt  }
0x61: {  	_ =	shalt  }
0x62: {  	_ =	shalt  }
0x63: {  	_ =	shalt  }
0x64: {  	_ =	shalt  }
0x65: {  	_ =	shalt  }
0x66: {  	_ =	shalt  }
0x67: {  	_ =	shalt  }
0x68: {  	_ =	shalt  }
0x69: {  	_ =	shalt  }
0x6a: {  	_ =	shalt  }
0x6b: {  	_ =	shalt  }
0x6c: {  	_ =	shalt  }
0x6d: {  	_ =	shalt  }
0x6e: {  	_ =	shalt  }
0x6f: {  	_ =	shalt  }
0x70: {  	_ =	shalt  }
0x71: {  	_ =	shalt  }
0x72: {  	_ =	shalt  }
0x73: {  	_ =	shalt  }
0x74: {  	_ =	shalt  }
0x75: {  	_ =	shalt  }
0x76: {  	_ =	shalt  }
0x77: {  	_ =	shalt  }
0x78: {  	_ =	shalt  }
0x79: {  	_ =	shalt  }
0x7a: {  	_ =	shalt  }
0x7b: {  	_ =	shalt  }
0x7c: {  	_ =	shalt  }
0x7d: {  	_ =	shalt  }
0x7e: {  	_ =	shalt  }
0x7f: {  	_ =	shalt  }
0x80: {  	_ =	shalt  }
0x81: {  	_ =	shalt  }
0x82: {  	_ =	shalt  }
0x83: {  	_ =	shalt  }
0x84: {  	_ =	shalt  }
0x85: {  	_ =	shalt  }
0x86: {  	_ =	shalt  }
0x87: {  	_ =	shalt  }
.Lfunc_end0:
.L_simem_size_0:
called_computation_lowered:
.L_overlay_start_0:
0x88: {  	s2 =	sld [smem:$0x3FD9]  }
0x89: {  	s3 =	sld [smem:$0x3FFE];
	_ =	sdelay $0x1  }
0x8a: {  	s1 =	srdreg.scid  }
0x8b: {  	s0 =	sand.u32 $0x1, s1  }
0x8c: {  	s17 =	sshll.u32 s0, $0xA;
	s2 =	sadd.s32 s3, s2  }
0x8d: {  	s2 =	sadd.s32 s2, s17  }
0x8e: {  	[smem:$0x3FC2] =	sst s2  }
0x8f: {  	_ = 	snop  }
0x90: {  	s2 =	sld [smem:$0x3FD0];
	(tm) =	ssettm $0x1  }
0x91: {  	s18 =	sld [smem:$0x3FFB];
	_ =	sdelay $0x3  }
0x92: {  	_ =	strace s18  }
0x93: {  	s3 =	sld [smem:$0x3FFC];
	_ =	sdelay $0x3  }
0x94: {  	_ =	strace s3  }
0x95: {  	s3 =	sld [smem:$0x3FFD];
	_ =	sdelay $0x3  }
0x96: {  	_ =	strace s3  }
0x97: {  	_ =	strace $0x8FFFFFFF  }
0x98: {  	s19 =	sld [smem:$0x3FDB];
	_ =	sdelay $0x1  }
0x99: {  	s4 =	simm.s32 $_scs_section_size  }
0x9a: {  	s5 =	simm.s32 $_size__tile_overlayer_lowered;
	s6 =	simm.s32 $_tile_overlayer_lowered  }
0x9b: {  	s22 =	simm.s32 $0x1BFF;
	s21 =	sshll.u32 s6, $0x1;
	s3 =	sadd.s32 s4, s19  }
0x9c: {  	s7 =	simm.s32 $0x0;
	s20 =	sshll.u32 s5, $0x1;
	s5 =	sadd.s32 s21, s3  }
0x9d: {  	[timem:s7], [sflag:s22] =	dma.local [hbm:s5], s20  }
0x9e: {  	_ =	swait.ge [sflag:s22], s20  }
0x9f: {  	s4 =	ssub.s32 $0x0, s20;
	[sflag:s22] =	ssyncset.done $0x0  }
0xa0: {  	[sflag:s22] =	ssyncadd.s32 s4;
	_ =	sdelay $0x1  }
0xa1: {  	s23 =	simm.s32 $0x1B8B  }
0xa2: {  	_ =	swait.ge [sflag:s23], $0x1  }
0xa3: {  	[sflag:s23] =	ssyncset.done $0x0  }
0xa4: {  	s25 =	simm.s32 $0x1B8E;
	s24 =	sld [smem:$0x3FFE];
	[sflag:s23] =	ssyncadd.s32 $0xFFFFFFFF  }
0xa5: {  	s26 =	simm.s32 $execute0_lowered;
	[smem:$0x3FD2] =	sst s25  }
0xa6: {  	s5 =	sshll.u32 s26, $0x1;
	_ =	strace $0x80000046;
	[dreg:$0x1] =	wrdreg $0xFFFFFFFF  }
0xa7: {  	s28 =	simm.s32 $_size_execute0_lowered;
	s3 =	sadd.s32 s3, s5;
	[dreg:$0x0] =	wrdreg $0x0  }
0xa8: {  	s5 =	sshll.u32 s28, $0x1;
	[dreg:$0x2] =	wrdreg s3  }
0xa9: {  	[dreg:$0x3] =	wrdreg s5  }
0xaa: {  	[dreg:$0x4] =	wrdreg $0xC0  }
0xab: {  	_ =	task [dreg:s7], $0x5FFFF  }
0xac: {  	[dreg:$0x1] =	wrdreg $0xFFFFFFFF  }
0xad: {  	[dreg:$0x0] =	wrdreg $0x60  }
0xae: {  	[dreg:$0x2] =	wrdreg s24  }
0xaf: {  	[dreg:$0x3] =	wrdreg s2  }
0xb0: {  	[dreg:$0x4] =	wrdreg $0x50800  }
0xb1: {  	[dreg:$0x5] =	wrdreg $0x53000  }
0xb2: {  	[dreg:$0x6] =	wrdreg $0x9  }
0xb3: {  	_ =	task.clear_ibuf [dreg:s7], $0x7FFFF;
	_ =	strace $0x90000046  }
0xb4: {  	s29 =	simm.s32 $0x9;
	_ =	strace $0x80000048  }
0xb5: {  	_ =	swait.ge [sflag:s29], $0x1  }
0xb6: {  	[sflag:s29] =	ssyncadd.s32 $0xFFFFFFFF  }
0xb7: {  	_ =	strace $0x90000048  }
0xb8: {  	_ =	sfence  }
0xb9: {  	s30 =	sld [smem:$0x0];
	_ =	sdelay $0x2  }
0xba: {  	s31 =	sshll.u32 s1, $0xD;
	s1 =	sshrl.u32 s1, $0x2  }
0xbb: {  	s3 =	sand.u32 $0x4000, s31;
	s1 =	sadd.s32 s1, s30  }
0xbc: {  	s0 =	sor.u32 s3, s0;
	s1 =	sshll.u32 s1, $0x11  }
0xbd: {  	s0 =	sor.u32 s1, s0  }
0xbe: {  	s0 =	sadd.s32 $0x8F2B, s0  }
0xbf: {  	[sflag:s0] =	ssyncadd.remote.s32 $0x1  }
0xc0: {  	_ =	sfence.sel $0xFFFF  }
0xc1: {  	[dreg:$0x0] =	wrdreg $0xFFFFFFFF;
	(pc) =	sbr.abs _section_cstart, $3  }
0xc2: {  	[dreg:$0x1] =	wrdreg $0xFFFFFFFF  }
0xc3: {  	_ =	task.clear_ibuf [dreg:s7], $0x2FFFF;
	_ =	strace $0x9FFFFFFF  }
0xc4: {  	(tm) =	ssettm $0x7FFFFFFF  }
0xc5: {  	_ =	shalt  }
tec
execute0_lowered:
.L_overlay_start_1:
0x0: {  	(tag) =	ssettag $0x1  }
0x1: {  	s0 =	srdreg.scid;
	s1 =	rddreg [dreg:$0x0]  }
0x2: {  	s12 =	stileid.u32;
	s9 =	rddreg [dreg:$0x1];
	s4 =	simm.s32 $0x0  }
0x3: {  	s14 =	simm.s32 $0x9;
	s16 =	simm.s32 $0x5000;
	s17 =	simm.s32 $0x2800  }
0x4: {  	s18 =	simm.s32 $0x80;
	s22 =	simm.s32 $0x180;
	s23 =	simm.s32 $0x2980  }
0x5: {  	s24 =	simm.s32 $0x1;
	s28 =	simm.s32 $0x6;
	s29 =	simm.s32 $0x3  }
0x6: {  	s30 =	simm.s32 $0x7;
	s31 =	simm.s32 $0x4;
	s0 =	sand.u32 $0x1, s0  }
0x7: {  	s8 =	smul.u32 $0x280, s12;
	[smem:$0x7FF] =	sst s4;
	s26 =	sshll.u32 s12, $0x6  }
0x8: {  	s2 =	sshll.u32 s0, $0x4;
	s5 =	smul.u32 $0x2800, s0;
	s0 =	ssub.s32 $0x2, s0  }
0x9: {  	s3 =	sor.u32 s12, s2;
	s2 =	rddreg [dreg:$0x2];
	s25 =	sshrl.u32 s0, $0x1  }
0xa: {  	s10 =	smul.u32 $0x500, s3;
	s3 =	rddreg [dreg:$0x3];
	_ =	strace $0x80000047  }
0xb: {  	s6 =	sadd.s32 s8, s5;
	s5 =	sadd.s32 $0xC800, s1;
	s0 =	ssub.s32 s0, s25  }
0xc: {  	s13 =	sadd.s32 s8, s2;
	s25 =	simm.s32 $0x5;
	s7 =	sshrl.u32 s6, $0x3  }
0xd: {  	s6 =	sadd.s32 $0xCA00, s1;
	s15 =	sadd.s32 s8, s3;
	s12 =	smax.u32 s0, $0x1  }
0xe: {  	s13 =	sshrl.u32 s13, $0x3;
	s0 =	simm.s32 $0x0;
	s11 =	sadd.s32 s10, s1  }
0xf: {  	s1 =	sadd.s32 s7, s1;
	s7 =	sor.u32 $0x1C09, s26;
	s9 =	sadd.s32 s9, s10  }
0x10: {  	s15 =	sshrl.u32 s15, $0x3;
	s26 =	simm.s32 $0x2;
	s8 =	sadd.s32 $0x2800, s11  }
0x11: {  	s10 =	sadd.s32 $0xCC00, s1;
	s11 =	sadd.s32 $0xD600, s1;
	s1 =	simm.s32 $0x8  }
.LBB2_1:
0x12: {  	[spmem:s13], [sflag:s7] =	dma.local [hbm:s5], $0x50  }
0x13: {  	_ =	swait.ge [sflag:s14], $0x50  }
0x14: {  	[sflag:s14] =	ssyncset.done $0x0  }
0x15: {  	[sflag:s14] =	ssyncadd.s32 $0xFFFFFFB0  }
0x16: {  	[spmem:s15], [sflag:s7] =	dma.local [hbm:s5], $0x50  }
0x17: {  	_ =	swait.ge [sflag:s14], $0x50  }
0x18: {  	[sflag:s14] =	ssyncset.done $0x0  }
0x19: {  	[sflag:s14] =	ssyncadd.s32 $0xFFFFFFB0  }
0x1a: {  	[tilespmem:s16], [sflag:$0x9] =	stream.linear.gather [hbm4b:s6+s4], $0x80, $0x38;
	[tilespmem:$0x5580] =	vst v63  }
0x1b: {  	_ =	swait.ge [sflag:s14], $0x80  }
0x1c: {  	[sflag:s14] =	ssyncset.done $0x0  }
0x1d: {  	[sflag:s14] =	ssyncadd.s32 $0xFFFFFF80  }
0x1e: {  	[tilespmem:s4], [sflag:$0x9] =	stream.linear.gather [hbm4b:s8+s4], $0x2800, $0x38;
	[tilespmem:$0x5580] =	vst v63  }
0x1f: {  	_ =	swait.ge [sflag:s14], $0x2800  }
0x20: {  	[sflag:s14] =	ssyncset.done $0x0  }
0x21: {  	[sflag:s14] =	ssyncadd.s32 $0xFFFFD800  }
0x22: {  	[tilespmem:s17], [sflag:$0x9] =	stream.linear.gather [hbm4b:s9+s4], $0x2800, $0x38;
	[tilespmem:$0x5580] =	vst v63  }
0x23: {  	_ =	swait.ge [sflag:s14], $0x2800  }
0x24: {  	[sflag:s14] =	ssyncset.done $0x0  }
0x25: {  	[sflag:s14] =	ssyncadd.s32 $0xFFFFD800  }
0x26: {  	[bflag:$0x0] =	sbarrier.arrive $0xFFFF  }
0x27: {  	[spmem:s2] =	stream.indirect.scatter.add.f32 [tilespmem:s16], [sflag:$0x1], $0x1, s4, s18, $0xb8;
	[tilespmem:$0x5580] =	vst v63  }
0x28: {  	_ = 	snop  }
0x29: {  	[spmem:s3] =	stream.indirect.scatter.add.f32 [tilespmem:s16], [sflag:$0x5], $0x1, s17, s18, $0xb8;
	[tilespmem:$0x5580] =	vst v63  }
0x2a: {  	_ = 	snop  }
0x2b: {  	[spmem:s2] =	stream.indirect.scatter.add.f32 [tilespmem:s16], [sflag:$0x2], $0x1, s18, s18, $0xb8;
	[tilespmem:$0x5580] =	vst v63  }
0x2c: {  	s19 =	simm.s32 $0x2880  }
0x2d: {  	[spmem:s3] =	stream.indirect.scatter.add.f32 [tilespmem:s16], [sflag:$0x6], $0x1, s19, s18, $0xb8;
	[tilespmem:$0x5580] =	vst v63  }
0x2e: {  	s21 =	simm.s32 $0x100  }
0x2f: {  	[spmem:s2] =	stream.indirect.scatter.add.f32 [tilespmem:s16], [sflag:$0x3], $0x1, s21, s18, $0xb8;
	[tilespmem:$0x5580] =	vst v63  }
0x30: {  	s20 =	simm.s32 $0x2900  }
0x31: {  	[spmem:s3] =	stream.indirect.scatter.add.f32 [tilespmem:s16], [sflag:$0x7], $0x1, s20, s18, $0xb8;
	[tilespmem:$0x5580] =	vst v63  }
0x32: {  	_ = 	snop  }
0x33: {  	[spmem:s2] =	stream.indirect.scatter.add.f32 [tilespmem:s16], [sflag:$0x4], $0x1, s22, s18, $0xb8;
	[tilespmem:$0x5580] =	vst v63  }
0x34: {  	_ = 	snop  }
0x35: {  	[spmem:s3] =	stream.indirect.scatter.add.f32 [tilespmem:s16], [sflag:$0x8], $0x1, s23, s18, $0xb8;
	[tilespmem:$0x5580] =	vst v63  }
0x36: {  	_ =	swait.ge [sflag:s24], $0x80  }
0x37: {  	[sflag:s24] =	ssyncset.done $0x0  }
0x38: {  	[sflag:s24] =	ssyncadd.s32 $0xFFFFFF80  }
0x39: {  	_ =	swait.ge [sflag:s25], $0x80  }
0x3a: {  	[sflag:s25] =	ssyncset.done $0x0  }
0x3b: {  	s21 =	simm.s32 $0x200;
	[sflag:s25] =	ssyncadd.s32 $0xFFFFFF80  }
0x3c: {  	[spmem:s2] =	stream.indirect.scatter.add.f32 [tilespmem:s16], [sflag:$0x1], $0x1, s21, s18, $0xb8;
	[tilespmem:$0x5580] =	vst v63  }
0x3d: {  	s20 =	simm.s32 $0x2A00  }
0x3e: {  	[spmem:s3] =	stream.indirect.scatter.add.f32 [tilespmem:s16], [sflag:$0x5], $0x1, s20, s18, $0xb8;
	[tilespmem:$0x5580] =	vst v63  }
0x3f: {  	_ =	swait.ge [sflag:s26], $0x80  }
0x40: {  	[sflag:s26] =	ssyncset.done $0x0  }
0x41: {  	[sflag:s26] =	ssyncadd.s32 $0xFFFFFF80  }
0x42: {  	_ =	swait.ge [sflag:s28], $0x80  }
0x43: {  	[sflag:s28] =	ssyncset.done $0x0  }
0x44: {  	s21 =	simm.s32 $0x280;
	[sflag:s28] =	ssyncadd.s32 $0xFFFFFF80  }
0x45: {  	[spmem:s2] =	stream.indirect.scatter.add.f32 [tilespmem:s16], [sflag:$0x2], $0x1, s21, s18, $0xb8;
	[tilespmem:$0x5580] =	vst v63  }
0x46: {  	s20 =	simm.s32 $0x2A80  }
0x47: {  	[spmem:s3] =	stream.indirect.scatter.add.f32 [tilespmem:s16], [sflag:$0x6], $0x1, s20, s18, $0xb8;
	[tilespmem:$0x5580] =	vst v63  }
0x48: {  	_ =	swait.ge [sflag:s29], $0x80  }
0x49: {  	[sflag:s29] =	ssyncset.done $0x0  }
0x4a: {  	[sflag:s29] =	ssyncadd.s32 $0xFFFFFF80  }
0x4b: {  	_ =	swait.ge [sflag:s30], $0x80  }
0x4c: {  	[sflag:s30] =	ssyncset.done $0x0  }
0x4d: {  	s21 =	simm.s32 $0x300;
	[sflag:s30] =	ssyncadd.s32 $0xFFFFFF80  }
0x4e: {  	[spmem:s2] =	stream.indirect.scatter.add.f32 [tilespmem:s16], [sflag:$0x3], $0x1, s21, s18, $0xb8;
	[tilespmem:$0x5580] =	vst v63  }
0x4f: {  	s20 =	simm.s32 $0x2B00  }
0x50: {  	[spmem:s3] =	stream.indirect.scatter.add.f32 [tilespmem:s16], [sflag:$0x7], $0x1, s20, s18, $0xb8;
	[tilespmem:$0x5580] =	vst v63  }
0x51: {  	_ =	swait.ge [sflag:s31], $0x80  }
0x52: {  	[sflag:s31] =	ssyncset.done $0x0  }
0x53: {  	[sflag:s31] =	ssyncadd.s32 $0xFFFFFF80  }
0x54: {  	_ =	swait.ge [sflag:s1], $0x80  }
0x55: {  	s19 =	simm.s32 $0x800;
	[sflag:s1] =	ssyncset.done $0x0  }
0x56: {  	s21 =	simm.s32 $0x380;
	s20 =	simm.s32 $0x2B80;
	[sflag:s1] =	ssyncadd.s32 $0xFFFFFF80  }
0x57: {  	[spmem:s2] =	stream.indirect.scatter.add.f32 [tilespmem:s16], [sflag:$0x4], $0x1, s21, s18, $0xb8;
	[tilespmem:$0x5580] =	vst v63  }
.LBB2_2:
0x58: {  	[spmem:s3] =	stream.indirect.scatter.add.f32 [tilespmem:s16], [sflag:$0x8], $0x1, s20, s18, $0xb8;
	[tilespmem:$0x5580] =	vst v63  }
0x59: {  	s20 =	smov.u32 s19  }
0x5a: {  	p0 =	sne.s32 s19, $0x9000;
	s19 =	sadd.s32 $0x800, s19;
	_ =	swait.ge [sflag:s24], $0x80  }
0x5b: {  	[sflag:s24] =	ssyncset.done $0x0  }
0x5c: {  	[sflag:s24] =	ssyncadd.s32 $0xFFFFFF80  }
0x5d: {  	_ =	swait.ge [sflag:s25], $0x80  }
0x5e: {  	s20 =	sshra.s32 s20, $0x2;
	[sflag:s25] =	ssyncset.done $0x0  }
0x5f: {  	s21 =	sadd.s32 $0x200, s20;
	[sflag:s25] =	ssyncadd.s32 $0xFFFFFF80  }
0x60: {  	[spmem:s2] =	stream.indirect.scatter.add.f32 [tilespmem:s16], [sflag:$0x1], $0x1, s21, s18, $0xb8;
	[tilespmem:$0x5580] =	vst v63  }
0x61: {  	s21 =	sadd.s32 $0x2A00, s20  }
0x62: {  	[spmem:s3] =	stream.indirect.scatter.add.f32 [tilespmem:s16], [sflag:$0x5], $0x1, s21, s18, $0xb8;
	[tilespmem:$0x5580] =	vst v63  }
0x63: {  	_ =	swait.ge [sflag:s26], $0x80  }
0x64: {  	[sflag:s26] =	ssyncset.done $0x0  }
0x65: {  	[sflag:s26] =	ssyncadd.s32 $0xFFFFFF80  }
0x66: {  	_ =	swait.ge [sflag:s28], $0x80  }
0x67: {  	[sflag:s28] =	ssyncset.done $0x0  }
0x68: {  	s21 =	sadd.s32 $0x280, s20;
	[sflag:s28] =	ssyncadd.s32 $0xFFFFFF80  }
0x69: {  	[spmem:s2] =	stream.indirect.scatter.add.f32 [tilespmem:s16], [sflag:$0x2], $0x1, s21, s18, $0xb8;
	[tilespmem:$0x5580] =	vst v63  }
0x6a: {  	s21 =	sadd.s32 $0x2A80, s20  }
0x6b: {  	[spmem:s3] =	stream.indirect.scatter.add.f32 [tilespmem:s16], [sflag:$0x6], $0x1, s21, s18, $0xb8;
	[tilespmem:$0x5580] =	vst v63  }
0x6c: {  	_ =	swait.ge [sflag:s29], $0x80  }
0x6d: {  	[sflag:s29] =	ssyncset.done $0x0  }
0x6e: {  	[sflag:s29] =	ssyncadd.s32 $0xFFFFFF80  }
0x6f: {  	_ =	swait.ge [sflag:s30], $0x80  }
0x70: {  	[sflag:s30] =	ssyncset.done $0x0  }
0x71: {  	s21 =	sadd.s32 $0x300, s20;
	[sflag:s30] =	ssyncadd.s32 $0xFFFFFF80  }
0x72: {  	[spmem:s2] =	stream.indirect.scatter.add.f32 [tilespmem:s16], [sflag:$0x3], $0x1, s21, s18, $0xb8;
	[tilespmem:$0x5580] =	vst v63  }
0x73: {  	s21 =	sadd.s32 $0x2B00, s20  }
0x74: {  	[spmem:s3] =	stream.indirect.scatter.add.f32 [tilespmem:s16], [sflag:$0x7], $0x1, s21, s18, $0xb8;
	[tilespmem:$0x5580] =	vst v63  }
0x75: {  	_ =	swait.ge [sflag:s31], $0x80  }
0x76: {  	[sflag:s31] =	ssyncset.done $0x0  }
0x77: {  	[sflag:s31] =	ssyncadd.s32 $0xFFFFFF80  }
.Ltmp0:
0x78: {  	_ =	swait.ge [sflag:s1], $0x80;
	(pc) =	sbr.rel @p0 .LBB2_2-.Ltmp0, $4  }
0x79: {  	[sflag:s1] =	ssyncset.done $0x0  }
0x7a: {  	s21 =	sadd.s32 $0x380, s20;
	[sflag:s1] =	ssyncadd.s32 $0xFFFFFF80  }
0x7b: {  	[spmem:s2] =	stream.indirect.scatter.add.f32 [tilespmem:s16], [sflag:$0x4], $0x1, s21, s18, $0xb8;
	[tilespmem:$0x5580] =	vst v63  }
0x7c: {  	s20 =	sadd.s32 $0x2B80, s20  }
0x7d: {  	[spmem:s3] =	stream.indirect.scatter.add.f32 [tilespmem:s16], [sflag:$0x8], $0x1, s20, s18, $0xb8;
	[tilespmem:$0x5580] =	vst v63  }
0x7e: {  	_ =	swait.ge [sflag:s24], $0x80  }
0x7f: {  	[sflag:s24] =	ssyncset.done $0x0  }
0x80: {  	[sflag:s24] =	ssyncadd.s32 $0xFFFFFF80  }
0x81: {  	_ =	swait.ge [sflag:s25], $0x80  }
0x82: {  	[sflag:s25] =	ssyncset.done $0x0  }
0x83: {  	[sflag:s25] =	ssyncadd.s32 $0xFFFFFF80  }
0x84: {  	_ =	swait.ge [sflag:s26], $0x80  }
0x85: {  	[sflag:s26] =	ssyncset.done $0x0  }
0x86: {  	[sflag:s26] =	ssyncadd.s32 $0xFFFFFF80  }
0x87: {  	_ =	swait.ge [sflag:s28], $0x80  }
0x88: {  	[sflag:s28] =	ssyncset.done $0x0  }
0x89: {  	[sflag:s28] =	ssyncadd.s32 $0xFFFFFF80  }
0x8a: {  	_ =	swait.ge [sflag:s29], $0x80  }
0x8b: {  	[sflag:s29] =	ssyncset.done $0x0  }
0x8c: {  	[sflag:s29] =	ssyncadd.s32 $0xFFFFFF80  }
0x8d: {  	_ =	swait.ge [sflag:s30], $0x80  }
0x8e: {  	[sflag:s30] =	ssyncset.done $0x0  }
0x8f: {  	[sflag:s30] =	ssyncadd.s32 $0xFFFFFF80  }
0x90: {  	_ =	swait.ge [sflag:s31], $0x80  }
0x91: {  	[sflag:s31] =	ssyncset.done $0x0  }
0x92: {  	[sflag:s31] =	ssyncadd.s32 $0xFFFFFF80  }
0x93: {  	_ =	swait.ge [sflag:s1], $0x80  }
0x94: {  	[sflag:s1] =	ssyncset.done $0x0  }
0x95: {  	[sflag:s1] =	ssyncadd.s32 $0xFFFFFF80  }
0x96: {  	[bflag:$0x0] =	sbarrier.arrive $0xFFFF  }
0x97: {  	[hbm:s10], [sflag:s7] =	dma.local [spmem:s13], $0x50  }
0x98: {  	s0 =	sadd.s32 $0x1, s0;
	_ =	swait.ge [sflag:s14], $0x50  }
0x99: {  	p0 =	sne.s32 s0, s12;
	[sflag:s14] =	ssyncset.done $0x0  }
.Ltmp1:
0x9a: {  	[sflag:s14] =	ssyncadd.s32 $0xFFFFFFB0;
	(pc) =	sbr.rel @p0 .LBB2_1-.Ltmp1, $4  }
0x9b: {  	[hbm:s11], [sflag:s7] =	dma.local [spmem:s15], $0x50  }
0x9c: {  	_ =	swait.ge [sflag:s14], $0x50  }
0x9d: {  	[sflag:s14] =	ssyncset.done $0x0  }
0x9e: {  	[sflag:s14] =	ssyncadd.s32 $0xFFFFFFB0  }
0x9f: {  	_ =	sfence.sel $0x180000  }
0xa0: {  	[bflag:$0x0] =	sbarrier.arrive $0xFFFF  }
0xa1: {  	_ =	strace $0x90000047  }
0xa2: {  	s0 =	stileid.u32;
	[bflag:$0x2] =	sbarrier.arrive $0xFFFF  }
0xa3: {  	p0 =	sne.s32 s0, $0x0;
	s0 =	rddreg [dreg:$0x4]  }
0xa4: {  	s0 =	sadd.s32 @!p0 $0x100000, s0  }
0xa5: {  	[sflag:s0] =	ssyncadd.tile.s32 @!p0 $0x1;
	_ =	shalt  }
.Lfunc_end2:
_tile_overlayer_lowered:
.L_overlay_start_2:
0xa6: {  	(tag) =	ssettag $0x2  }
0xa7: {  	s0 =	rddreg [dreg:$0x0];
	s2 =	stileid.u32  }
0xa8: {  	s1 =	rddreg [dreg:$0x1];
	p0 =	sne.s32 s2, $0x0  }
0xa9: {  	s3 =	rddreg [dreg:$0x2];
	[bflag:$0x3] =	sbarrier.arrive $0xFFFF;
	s2 =	simm.s32 @!p0 $0x1C09  }
0xaa: {  	[timem:s3], [sflag:s2] =	dma.local @!p0 [hbm:s0], s1  }
0xab: {  	s0 =	simm.s32 @!p0 $0x9  }
0xac: {  	_ =	swait.ge @!p0 [sflag:s0], s1  }
0xad: {  	s1 =	ssub.s32 @!p0 $0x0, s1;
	[sflag:s0] =	ssyncset.done @!p0 $0x0  }
0xae: {  	[sflag:s0] =	ssyncadd.s32 @!p0 s1  }
0xaf: {  	[bflag:$0x3] =	sbarrier.arrive $0xFFFF  }
0xb0: {  	_ =	shalt  }

// kernel: kernel.9.cloned.1.call-start
scs
__scs_entry_jumppad:
0x0: {  	(pc) =	sbr.rel $0x88, $3  }
0x1: {  	(tag) =	ssettag $0x0;
	lr =	simm.s32 $0x1  }
0x2: {  	[smem:$0x3F9B] =	sst lr;
	_ =	strace $0xD0000000  }
0x3: {  	_ = 	snop  }
0x4: {  	_ = 	snop  }
0x5: {  	_ = 	snop  }
0x6: {  	_ = 	snop  }
0x7: {  	_ = 	snop  }
__scs_overlays_trampoline_lowered:
0x8: {  	[smem:$0x3FAA] =	sst s0  }
0x9: {  	[smem:$0x3FAB] =	sst s1  }
0xa: {  	[smem:$0x3FAC] =	sst s2  }
0xb: {  	[smem:$0x3FAD] =	sst s3  }
0xc: {  	[smem:$0x3FAE] =	sst s4  }
0xd: {  	[smem:$0x3FAF] =	sst s5  }
0xe: {  	[smem:$0x3FB0] =	sst s6  }
0xf: {  	[smem:$0x3FB1] =	sst s7  }
0x10: {  	[smem:$0x3FB2] =	sst s8  }
0x11: {  	[smem:$0x3FB3] =	sst s9;
	s0 =	simm.s32 @!p0 $0x0  }
0x12: {  	s1 =	sld [smem:$0x3F99];
	s0 =	simm.s32 @p0 $0x1  }
0x13: {  	[smem:$0x3FB4] =	sst s0;
	s0 =	simm.s32 @!p1 $0x0  }
0x14: {  	s2 =	sld [smem:$0x3F98];
	s0 =	simm.s32 @p1 $0x1  }
0x15: {  	[smem:$0x3FB5] =	sst s0;
	s0 =	simm.s32 @!p2 $0x0  }
0x16: {  	s3 =	sld [smem:$0x3FDB];
	s0 =	simm.s32 @p2 $0x1  }
0x17: {  	s4 =	simm.s32 $0x1BF5;
	[smem:$0x3FB7] =	sst s0  }
0x18: {  	s0 =	sld [smem:$0x3F9A];
	_ =	swait.ge [sflag:s4], $0x0  }
0x19: {  	s7 =	sld [smem:$0x3F9B]  }
0x1a: {  	s8 =	sadd.s32 $0xFFFFE003, lr  }
0x1b: {  	s9 =	sadd.s32 $0xFFFFFEF7, lr;
	s5 =	simm.s32 $0xFFFFFFFF;
	p2 =	slt.u32 s8, $0xFFFFF086  }
0x1c: {  	p1 =	slt.u32 s9, $0xF7A;
	s5 =	simm.s32 @!p2 $0x0  }
0x1d: {  	s5 =	simm.s32 @p1 $0x1;
	p0 =	seq.s32 s7, s2  }
0x1e: {  	s7 =	smul.u32 @!p0 $0xF7A, s2;
	p2 =	seq.s32 @!p0 s5, $0x0  }
0x1f: {  	s9 =	smul.u32 $0xF7A, s1;
	s8 =	simm.s32 @!p0 $0x1BF5;
	p2 =	por !p2, p0  }
0x20: {  	[sflag:s8] =	ssyncset.s32 @!p0 $0xFFFFF086;
	s6 =	sadd.s32 @!p0 s3, s7;
	s7 =	simm.s32 @!p0 $0x108  }
0x21: {  	s3 =	sadd.s32 s3, s9;
	s6 =	sadd.s32 @!p0 $0x88, s6;
	s7 =	simm.s32 @p2 $0x1082  }
0x22: {  	[simem:s7], [sflag:s8] =	dma.local @!p0 [hbm:s6], $0xF7A  }
0x23: {  	s9 =	sor.u32 $0xD0000000, s2;
	s6 =	simm.s32 $0x108;
	_ =	swait.ge @!p0 [sflag:s8], $0x0  }
0x24: {  	s3 =	sadd.s32 $0x88, s3;
	s6 =	simm.s32 @!p1 $0x1082;
	[sflag:s4] =	ssyncset.s32 $0xFFFFF086  }
0x25: {  	[simem:s6], [sflag:s4] =	dma.local [hbm:s3], $0xF7A  }
0x26: {  	[smem:$0x3F9B] =	sst s1;
	(tag) =	ssettag s2;
	_ =	strace s9  }
0x27: {  	s1 =	sld [smem:$0x3FAB]  }
0x28: {  	s2 =	sld [smem:$0x3FAC]  }
0x29: {  	s4 =	sld [smem:$0x3FAE]  }
0x2a: {  	p0 =	seq.s32 s5, $0x0;
	s5 =	sld [smem:$0x3FAF]  }
0x2b: {  	s6 =	sld [smem:$0x3FB0]  }
0x2c: {  	s7 =	sld [smem:$0x3FB1]  }
0x2d: {  	s3 =	simm.s32 $0x108;
	s8 =	sld [smem:$0x3FB2]  }
0x2e: {  	s3 =	simm.s32 @!p0 $0x1082;
	s9 =	sld [smem:$0x3FB3]  }
0x2f: {  	lr =	sadd.s32 s0, s3;
	s0 =	sld [smem:$0x3FAA]  }
0x30: {  	s3 =	sld [smem:$0x3FAD]  }
0x31: {  	[smem:$0x3FB6] =	sst s10  }
0x32: {  	s10 =	sld [smem:$0x3FB4];
	_ =	sdelay $0x3  }
0x33: {  	p0 =	seq.s32 s10, $0x1;
	s10 =	sld [smem:$0x3FB6];
	_ =	sdelay $0x3  }
0x34: {  	[smem:$0x3FB6] =	sst s10  }
0x35: {  	s10 =	sld [smem:$0x3FB5];
	_ =	sdelay $0x3  }
0x36: {  	p1 =	seq.s32 s10, $0x1;
	s10 =	sld [smem:$0x3FB6];
	_ =	sdelay $0x3  }
0x37: {  	[smem:$0x3FB6] =	sst s10  }
0x38: {  	s10 =	sld [smem:$0x3FB7]  }
0x39: {  	_ = 	snop;
	(pc) =	sbr.ind lr, $3  }
0x3a: {  	_ = 	snop  }
0x3b: {  	_ = 	snop  }
0x3c: {  	p2 =	seq.s32 s10, $0x1;
	s10 =	sld [smem:$0x3FB6]  }
0x3d: {  	_ =	shalt  }
0x3e: {  	_ =	shalt  }
0x3f: {  	_ =	shalt  }
0x40: {  	_ =	shalt  }
0x41: {  	_ =	shalt  }
0x42: {  	_ =	shalt  }
0x43: {  	_ =	shalt  }
0x44: {  	_ =	shalt  }
0x45: {  	_ =	shalt  }
0x46: {  	_ =	shalt  }
0x47: {  	_ =	shalt  }
0x48: {  	_ =	shalt  }
0x49: {  	_ =	shalt  }
0x4a: {  	_ =	shalt  }
0x4b: {  	_ =	shalt  }
0x4c: {  	_ =	shalt  }
0x4d: {  	_ =	shalt  }
0x4e: {  	_ =	shalt  }
0x4f: {  	_ =	shalt  }
0x50: {  	_ =	shalt  }
0x51: {  	_ =	shalt  }
0x52: {  	_ =	shalt  }
0x53: {  	_ =	shalt  }
0x54: {  	_ =	shalt  }
0x55: {  	_ =	shalt  }
0x56: {  	_ =	shalt  }
0x57: {  	_ =	shalt  }
0x58: {  	_ =	shalt  }
0x59: {  	_ =	shalt  }
0x5a: {  	_ =	shalt  }
0x5b: {  	_ =	shalt  }
0x5c: {  	_ =	shalt  }
0x5d: {  	_ =	shalt  }
0x5e: {  	_ =	shalt  }
0x5f: {  	_ =	shalt  }
0x60: {  	_ =	shalt  }
0x61: {  	_ =	shalt  }
0x62: {  	_ =	shalt  }
0x63: {  	_ =	shalt  }
0x64: {  	_ =	shalt  }
0x65: {  	_ =	shalt  }
0x66: {  	_ =	shalt  }
0x67: {  	_ =	shalt  }
0x68: {  	_ =	shalt  }
0x69: {  	_ =	shalt  }
0x6a: {  	_ =	shalt  }
0x6b: {  	_ =	shalt  }
0x6c: {  	_ =	shalt  }
0x6d: {  	_ =	shalt  }
0x6e: {  	_ =	shalt  }
0x6f: {  	_ =	shalt  }
0x70: {  	_ =	shalt  }
0x71: {  	_ =	shalt  }
0x72: {  	_ =	shalt  }
0x73: {  	_ =	shalt  }
0x74: {  	_ =	shalt  }
0x75: {  	_ =	shalt  }
0x76: {  	_ =	shalt  }
0x77: {  	_ =	shalt  }
0x78: {  	_ =	shalt  }
0x79: {  	_ =	shalt  }
0x7a: {  	_ =	shalt  }
0x7b: {  	_ =	shalt  }
0x7c: {  	_ =	shalt  }
0x7d: {  	_ =	shalt  }
0x7e: {  	_ =	shalt  }
0x7f: {  	_ =	shalt  }
0x80: {  	_ =	shalt  }
0x81: {  	_ =	shalt  }
0x82: {  	_ =	shalt  }
0x83: {  	_ =	shalt  }
0x84: {  	_ =	shalt  }
0x85: {  	_ =	shalt  }
0x86: {  	_ =	shalt  }
0x87: {  	_ =	shalt  }
.Lfunc_end0:
.L_simem_size_0:
called_computation.1_lowered:
.L_overlay_start_0:
0x88: {  	s2 =	sld [smem:$0x3FD9]  }
0x89: {  	s3 =	sld [smem:$0x3FFE];
	_ =	sdelay $0x1  }
0x8a: {  	s1 =	srdreg.scid  }
0x8b: {  	s0 =	sand.u32 $0x1, s1  }
0x8c: {  	s17 =	sshll.u32 s0, $0xA;
	s2 =	sadd.s32 s3, s2  }
0x8d: {  	s2 =	sadd.s32 s2, s17  }
0x8e: {  	[smem:$0x3FC2] =	sst s2  }
0x8f: {  	_ = 	snop  }
0x90: {  	s2 =	sld [smem:$0x3FD0];
	(tm) =	ssettm $0x1  }
0x91: {  	s18 =	sld [smem:$0x3FFB];
	_ =	sdelay $0x3  }
0x92: {  	_ =	strace s18  }
0x93: {  	s3 =	sld [smem:$0x3FFC];
	_ =	sdelay $0x3  }
0x94: {  	_ =	strace s3  }
0x95: {  	s3 =	sld [smem:$0x3FFD];
	_ =	sdelay $0x3  }
0x96: {  	_ =	strace s3  }
0x97: {  	_ =	strace $0x8FFFFFFF  }
0x98: {  	s19 =	sld [smem:$0x3FDB];
	_ =	sdelay $0x1  }
0x99: {  	s4 =	simm.s32 $_scs_section_size  }
0x9a: {  	s5 =	simm.s32 $_size__tile_overlayer_lowered;
	s6 =	simm.s32 $_tile_overlayer_lowered  }
0x9b: {  	s22 =	simm.s32 $0x1BFF;
	s21 =	sshll.u32 s6, $0x1;
	s3 =	sadd.s32 s4, s19  }
0x9c: {  	s7 =	simm.s32 $0x0;
	s20 =	sshll.u32 s5, $0x1;
	s5 =	sadd.s32 s21, s3  }
0x9d: {  	[timem:s7], [sflag:s22] =	dma.local [hbm:s5], s20  }
0x9e: {  	_ =	swait.ge [sflag:s22], s20  }
0x9f: {  	s4 =	ssub.s32 $0x0, s20;
	[sflag:s22] =	ssyncset.done $0x0  }
0xa0: {  	[sflag:s22] =	ssyncadd.s32 s4;
	_ =	sdelay $0x1  }
0xa1: {  	s23 =	simm.s32 $0x1B8B  }
0xa2: {  	_ =	swait.ge [sflag:s23], $0x1  }
0xa3: {  	[sflag:s23] =	ssyncset.done $0x0  }
0xa4: {  	s25 =	simm.s32 $0x1B8E;
	s24 =	sld [smem:$0x3FFE];
	[sflag:s23] =	ssyncadd.s32 $0xFFFFFFFF  }
0xa5: {  	s26 =	simm.s32 $execute0_lowered;
	[smem:$0x3FD2] =	sst s25  }
0xa6: {  	s5 =	sshll.u32 s26, $0x1;
	_ =	strace $0x80000049;
	[dreg:$0x1] =	wrdreg $0xFFFFFFFF  }
0xa7: {  	s28 =	simm.s32 $_size_execute0_lowered;
	s3 =	sadd.s32 s3, s5;
	[dreg:$0x0] =	wrdreg $0x0  }
0xa8: {  	s5 =	sshll.u32 s28, $0x1;
	[dreg:$0x2] =	wrdreg s3  }
0xa9: {  	[dreg:$0x3] =	wrdreg s5  }
0xaa: {  	[dreg:$0x4] =	wrdreg $0xC0  }
0xab: {  	_ =	task [dreg:s7], $0x5FFFF  }
0xac: {  	[dreg:$0x1] =	wrdreg $0xFFFFFFFF  }
0xad: {  	[dreg:$0x0] =	wrdreg $0x60  }
0xae: {  	[dreg:$0x2] =	wrdreg s24  }
0xaf: {  	[dreg:$0x3] =	wrdreg s2  }
0xb0: {  	[dreg:$0x4] =	wrdreg $0xA8000  }
0xb1: {  	[dreg:$0x5] =	wrdreg $0x9  }
0xb2: {  	_ =	task.clear_ibuf [dreg:s7], $0x6FFFF;
	_ =	strace $0x90000049  }
0xb3: {  	s29 =	simm.s32 $0x9;
	_ =	strace $0x8000004B  }
0xb4: {  	_ =	swait.ge [sflag:s29], $0x1  }
0xb5: {  	[sflag:s29] =	ssyncadd.s32 $0xFFFFFFFF  }
0xb6: {  	_ =	strace $0x9000004B  }
0xb7: {  	_ =	sfence  }
0xb8: {  	s30 =	sld [smem:$0x0];
	_ =	sdelay $0x2  }
0xb9: {  	s31 =	sshll.u32 s1, $0xD;
	s1 =	sshrl.u32 s1, $0x2  }
0xba: {  	s3 =	sand.u32 $0x4000, s31;
	s1 =	sadd.s32 s1, s30  }
0xbb: {  	s0 =	sor.u32 s3, s0;
	s1 =	sshll.u32 s1, $0x11  }
0xbc: {  	s0 =	sor.u32 s1, s0  }
0xbd: {  	s0 =	sadd.s32 $0x8F2B, s0  }
0xbe: {  	[sflag:s0] =	ssyncadd.remote.s32 $0x1  }
0xbf: {  	_ =	sfence.sel $0xFFFF  }
0xc0: {  	[dreg:$0x0] =	wrdreg $0xFFFFFFFF;
	(pc) =	sbr.abs _section_cstart, $3  }
0xc1: {  	[dreg:$0x1] =	wrdreg $0xFFFFFFFF  }
0xc2: {  	_ =	task.clear_ibuf [dreg:s7], $0x2FFFF;
	_ =	strace $0x9FFFFFFF  }
0xc3: {  	(tm) =	ssettm $0x7FFFFFFF  }
tec
execute0_lowered:
.L_overlay_start_1:
0x0: {  	(tag) =	ssettag $0x1  }
0x1: {  	s0 =	rddreg [dreg:$0x0]  }
0x2: {  	s2 =	rddreg [dreg:$0x1]  }
0x3: {  	s1 =	rddreg [dreg:$0x2]  }
0x4: {  	s3 =	simm.s32 $0x0;
	s5 =	srdreg.scid;
	s16 =	stileid.u32  }
0x5: {  	s28 =	simm.s32 $0x1;
	s29 =	simm.s32 $0x3;
	s30 =	simm.s32 $0x2  }
0x6: {  	s31 =	simm.s32 $0x4;
	[smem:$0x7FF] =	sst s3;
	s8 =	smul.u32 $0x2800, s16  }
0x7: {  	s4 =	sadd.s32 $0x33A00, s0;
	s7 =	sand.u32 $0x1, s5;
	s11 =	smul.u32 $0x50000, s16  }
0x8: {  	s9 =	sadd.s32 $0x2800, s0;
	_ =	strace $0x8000004A;
	s5 =	smul.u32 $0x28000, s7  }
0x9: {  	s6 =	sshll.u32 s7, $0x4;
	s10 =	ssub.s32 $0x2, s7;
	p0 =	seq.s32 s7, $0x0  }
0xa: {  	s6 =	sor.u32 s16, s6;
	s13 =	sshrl.u32 s10, $0x1;
	s21 =	sshrl.u32 s11, $0x2  }
0xb: {  	s12 =	sadd.s32 s8, s5;
	s14 =	smul.u32 $0x2800, s6;
	s5 =	sadd.s32 $0xC800, s0  }
0xc: {  	s13 =	ssub.s32 s10, s13;
	s22 =	smul.u32 $0x500, s6;
	s8 =	sadd.s32 s4, s8  }
0xd: {  	s6 =	sadd.s32 s21, s1;
	s0 =	sadd.s32 s12, s0;
	[dreg:$0x4] =	wrdreg s8  }
0xe: {  	s13 =	smax.u32 s13, $0x1;
	s7 =	sadd.s32 $0xC000, s6;
	s8 =	sadd.s32 $0x10000, s6  }
0xf: {  	s15 =	sshrl.u32 @p0 s6, $0x3;
	s17 =	sshrl.u32 @!p0 s6, $0x3;
	s23 =	sshrl.u32 s14, $0x3  }
0x10: {  	s25 =	sadd.s32 s9, s22;
	s26 =	sadd.s32 s2, s22;
	s12 =	sadd.s32 $0x83A00, s0  }
0x11: {  	s0 =	sadd.s32 $0x4000, s6;
	s20 =	sshrl.u32 @!p0 s7, $0x3;
	s21 =	sshrl.u32 @!p0 s8, $0x3  }
0x12: {  	s22 =	simm.s32 $0x5;
	s7 =	simm.s32 $0x0;
	[dreg:$0x5] =	wrdreg s25  }
0x13: {  	s24 =	sadd.s32 $0x280, s23;
	[dreg:$0x6] =	wrdreg s26;
	s18 =	sshrl.u32 @!p0 s0, $0x3  }
0x14: {  	s23 =	simm.s32 $0x1400;
	s25 =	simm.s32 $0x2800;
	s26 =	simm.s32 $0x6800  }
0x15: {  	s0 =	simm.s32 $0x2700;
	s9 =	sadd.s32 s9, s24;
	s11 =	sadd.s32 s2, s24  }
0x16: {  	s2 =	sadd.s32 $0x8000, s6;
	[dreg:$0x7] =	wrdreg s9;
	s9 =	sshll.u32 @p0 s16, $0x6  }
0x17: {  	s24 =	simm.s32 $0x80;
	s14 =	sor.u32 @p0 $0x1C05, s9;
	s9 =	sshll.u32 @!p0 s16, $0x6  }
0x18: {  	s19 =	sshrl.u32 @!p0 s2, $0x3;
	s2 =	simm.s32 $0x2780;
	s16 =	sor.u32 @!p0 $0x1C05, s9  }
.LBB2_1:
0x19: {  	s8 =	rddreg [dreg:$0x4]  }
0x1a: {  	[spmem:s15], [sflag:s14] =	dma.local @p0 [hbm:s8], $0x2800  }
0x1b: {  	s8 =	simm.s32 @p0 $0x5  }
0x1c: {  	_ =	swait.ge @p0 [sflag:s8], $0x2800  }
0x1d: {  	[sflag:s8] =	ssyncset.done @p0 $0x0  }
0x1e: {  	[sflag:s8] =	ssyncadd.s32 @p0 $0xFFFFD800;
	s8 =	simm.s32 @!p0 $0x5  }
0x1f: {  	[spmem:s17], [sflag:s16] =	dma.local @!p0 [hbm:s5], $0x800  }
0x20: {  	_ =	swait.ge @!p0 [sflag:s8], $0x800  }
0x21: {  	[sflag:s8] =	ssyncset.done @!p0 $0x0  }
0x22: {  	[sflag:s8] =	ssyncadd.s32 @!p0 $0xFFFFF800  }
0x23: {  	[spmem:s18], [sflag:s16] =	dma.local @!p0 [hbm:s5], $0x800  }
0x24: {  	_ =	swait.ge @!p0 [sflag:s8], $0x800  }
0x25: {  	[sflag:s8] =	ssyncset.done @!p0 $0x0  }
0x26: {  	[sflag:s8] =	ssyncadd.s32 @!p0 $0xFFFFF800  }
0x27: {  	[spmem:s19], [sflag:s16] =	dma.local @!p0 [hbm:s5], $0x800  }
0x28: {  	_ =	swait.ge @!p0 [sflag:s8], $0x800  }
0x29: {  	[sflag:s8] =	ssyncset.done @!p0 $0x0  }
0x2a: {  	[sflag:s8] =	ssyncadd.s32 @!p0 $0xFFFFF800  }
0x2b: {  	[spmem:s20], [sflag:s16] =	dma.local @!p0 [hbm:s5], $0x800  }
0x2c: {  	_ =	swait.ge @!p0 [sflag:s8], $0x800  }
0x2d: {  	[sflag:s8] =	ssyncset.done @!p0 $0x0  }
0x2e: {  	[sflag:s8] =	ssyncadd.s32 @!p0 $0xFFFFF800  }
0x2f: {  	[spmem:s21], [sflag:s16] =	dma.local @!p0 [hbm:s5], $0x800  }
0x30: {  	_ =	swait.ge @!p0 [sflag:s8], $0x800  }
0x31: {  	[sflag:s8] =	ssyncset.done @!p0 $0x0  }
0x32: {  	[sflag:s8] =	ssyncadd.s32 @!p0 $0xFFFFF800  }
0x33: {  	[bflag:$0x0] =	sbarrier.arrive $0xFFFF  }
0x34: {  	s10 =	rddreg [dreg:$0x5]  }
0x35: {  	[tilespmem:s3], [sflag:$0x5] =	stream.linear.gather [hbm4b:s10+s3], $0x1400, $0x38;
	[tilespmem:$0x1E800] =	vst v63  }
0x36: {  	_ =	swait.ge [sflag:s22], $0x1400  }
0x37: {  	[sflag:s22] =	ssyncset.done $0x0  }
0x38: {  	s9 =	rddreg [dreg:$0x6];
	[sflag:s22] =	ssyncadd.s32 $0xFFFFEC00  }
0x39: {  	[tilespmem:s23], [sflag:$0x5] =	stream.linear.gather [hbm4b:s9+s3], $0x1400, $0x38;
	[tilespmem:$0x1E800] =	vst v63  }
0x3a: {  	_ =	swait.ge [sflag:s22], $0x1400  }
0x3b: {  	[sflag:s22] =	ssyncset.done $0x0  }
0x3c: {  	[sflag:s22] =	ssyncadd.s32 $0xFFFFEC00  }
0x3d: {  	[tilespmem:s25], [sflag:$0x1] =	stream.indirect.gather [hbm4b:s4+s24], $0x80, s3, s24, $0xb8;
	[tilespmem:$0x1E800] =	vst v63  }
0x3e: {  	_ = 	snop  }
0x3f: {  	[tilespmem:s26], [sflag:$0x2] =	stream.indirect.gather [hbm4b:s4+s24], $0x80, s24, s24, $0xb8;
	[tilespmem:$0x1E800] =	vst v63  }
0x40: {  	_ =	swait.ge [sflag:s28], $0x4000  }
0x41: {  	[sflag:s28] =	ssyncset.done $0x0  }
0x42: {  	s10 =	simm.s32 $0x1400;
	[sflag:s28] =	ssyncadd.s32 $0xFFFFC000  }
0x43: {  	[spmem:s1] =	stream.indirect.scatter.add.f32 [tilespmem:s25], [sflag:$0x3], $0x80, s10, s24, $0xb8;
	[tilespmem:$0x1E800] =	vst v63  }
0x44: {  	_ =	swait.ge [sflag:s29], $0x4000  }
0x45: {  	[sflag:s29] =	ssyncset.done $0x0  }
0x46: {  	s9 =	simm.s32 $0x100;
	[sflag:s29] =	ssyncadd.s32 $0xFFFFC000  }
0x47: {  	[tilespmem:s25], [sflag:$0x1] =	stream.indirect.gather [hbm4b:s4+s24], $0x80, s9, s24, $0xb8;
	[tilespmem:$0x1E800] =	vst v63  }
0x48: {  	_ =	swait.ge [sflag:s30], $0x4000  }
0x49: {  	[sflag:s30] =	ssyncset.done $0x0  }
0x4a: {  	s10 =	simm.s32 $0x1480;
	[sflag:s30] =	ssyncadd.s32 $0xFFFFC000  }
0x4b: {  	[spmem:s1] =	stream.indirect.scatter.add.f32 [tilespmem:s26], [sflag:$0x4], $0x80, s10, s24, $0xb8;
	[tilespmem:$0x1E800] =	vst v63  }
0x4c: {  	_ =	swait.ge [sflag:s31], $0x4000  }
0x4d: {  	[sflag:s31] =	ssyncset.done $0x0  }
0x4e: {  	s8 =	simm.s32 $0x400;
	s9 =	simm.s32 $0x180;
	[sflag:s31] =	ssyncadd.s32 $0xFFFFC000  }
.LBB2_2:
0x4f: {  	[tilespmem:s26], [sflag:$0x2] =	stream.indirect.gather [hbm4b:s4+s24], $0x80, s9, s24, $0xb8;
	[tilespmem:$0x1E800] =	vst v63  }
0x50: {  	s9 =	smov.u32 s8  }
0x51: {  	p1 =	sne.s32 s8, $0x4800;
	s8 =	sadd.s32 $0x400, s8;
	_ =	swait.ge [sflag:s28], $0x4000  }
0x52: {  	s9 =	sshra.s32 s9, $0x2;
	[sflag:s28] =	ssyncset.done $0x0  }
0x53: {  	s10 =	sadd.s32 $0x1400, s9;
	[sflag:s28] =	ssyncadd.s32 $0xFFFFC000  }
0x54: {  	[spmem:s1] =	stream.indirect.scatter.add.f32 [tilespmem:s25], [sflag:$0x3], $0x80, s10, s24, $0xb8;
	[tilespmem:$0x1E800] =	vst v63  }
0x55: {  	_ =	swait.ge [sflag:s29], $0x4000  }
0x56: {  	[sflag:s29] =	ssyncset.done $0x0  }
0x57: {  	s10 =	sadd.s32 $0x100, s9;
	[sflag:s29] =	ssyncadd.s32 $0xFFFFC000  }
0x58: {  	[tilespmem:s25], [sflag:$0x1] =	stream.indirect.gather [hbm4b:s4+s24], $0x80, s10, s24, $0xb8;
	[tilespmem:$0x1E800] =	vst v63  }
0x59: {  	_ =	swait.ge [sflag:s30], $0x4000  }
0x5a: {  	[sflag:s30] =	ssyncset.done $0x0  }
.Ltmp0:
0x5b: {  	s10 =	sadd.s32 $0x1480, s9;
	[sflag:s30] =	ssyncadd.s32 $0xFFFFC000;
	(pc) =	sbr.rel @p1 .LBB2_2-.Ltmp0, $4  }
0x5c: {  	[spmem:s1] =	stream.indirect.scatter.add.f32 [tilespmem:s26], [sflag:$0x4], $0x80, s10, s24, $0xb8;
	[tilespmem:$0x1E800] =	vst v63  }
0x5d: {  	_ =	swait.ge [sflag:s31], $0x4000  }
0x5e: {  	[sflag:s31] =	ssyncset.done $0x0  }
0x5f: {  	s9 =	sadd.s32 $0x180, s9;
	[sflag:s31] =	ssyncadd.s32 $0xFFFFC000  }
0x60: {  	[tilespmem:s26], [sflag:$0x2] =	stream.indirect.gather [hbm4b:s4+s24], $0x80, s9, s24, $0xb8;
	[tilespmem:$0x1E800] =	vst v63  }
0x61: {  	_ =	swait.ge [sflag:s28], $0x4000  }
0x62: {  	[sflag:s28] =	ssyncset.done $0x0  }
0x63: {  	[sflag:s28] =	ssyncadd.s32 $0xFFFFC000  }
0x64: {  	[spmem:s1] =	stream.indirect.scatter.add.f32 [tilespmem:s25], [sflag:$0x3], $0x80, s0, s24, $0xb8;
	[tilespmem:$0x1E800] =	vst v63  }
0x65: {  	_ =	swait.ge [sflag:s30], $0x4000  }
0x66: {  	[sflag:s30] =	ssyncset.done $0x0  }
0x67: {  	[sflag:s30] =	ssyncadd.s32 $0xFFFFC000  }
0x68: {  	[spmem:s1] =	stream.indirect.scatter.add.f32 [tilespmem:s26], [sflag:$0x4], $0x80, s2, s24, $0xb8;
	[tilespmem:$0x1E800] =	vst v63  }
0x69: {  	_ =	swait.ge [sflag:s29], $0x4000  }
0x6a: {  	[sflag:s29] =	ssyncset.done $0x0  }
0x6b: {  	[sflag:s29] =	ssyncadd.s32 $0xFFFFC000  }
0x6c: {  	_ =	swait.ge [sflag:s31], $0x4000  }
0x6d: {  	[sflag:s31] =	ssyncset.done $0x0  }
0x6e: {  	s8 =	simm.s32 $0x0;
	s10 =	rddreg [dreg:$0x7];
	[sflag:s31] =	ssyncadd.s32 $0xFFFFC000  }
0x6f: {  	[tilespmem:s8], [sflag:$0x5] =	stream.linear.gather [hbm4b:s10+s8], $0x1400, $0x38;
	[tilespmem:$0x1E800] =	vst v63  }
0x70: {  	_ =	swait.ge [sflag:s22], $0x1400  }
0x71: {  	[sflag:s22] =	ssyncset.done $0x0  }
0x72: {  	[sflag:s22] =	ssyncadd.s32 $0xFFFFEC00  }
0x73: {  	[tilespmem:s23], [sflag:$0x5] =	stream.linear.gather [hbm4b:s11+s8], $0x1400, $0x38;
	[tilespmem:$0x1E800] =	vst v63  }
0x74: {  	_ =	swait.ge [sflag:s22], $0x1400  }
0x75: {  	[sflag:s22] =	ssyncset.done $0x0  }
0x76: {  	[sflag:s22] =	ssyncadd.s32 $0xFFFFEC00  }
0x77: {  	[tilespmem:s25], [sflag:$0x1] =	stream.indirect.gather [hbm4b:s4+s24], $0x80, s8, s24, $0xb8;
	[tilespmem:$0x1E800] =	vst v63  }
0x78: {  	_ = 	snop  }
0x79: {  	[tilespmem:s26], [sflag:$0x2] =	stream.indirect.gather [hbm4b:s4+s24], $0x80, s24, s24, $0xb8;
	[tilespmem:$0x1E800] =	vst v63  }
0x7a: {  	_ =	swait.ge [sflag:s28], $0x4000  }
0x7b: {  	[sflag:s28] =	ssyncset.done $0x0  }
0x7c: {  	s10 =	simm.s32 $0x1400;
	[sflag:s28] =	ssyncadd.s32 $0xFFFFC000  }
0x7d: {  	[spmem:s1] =	stream.indirect.scatter.add.f32 [tilespmem:s25], [sflag:$0x3], $0x80, s10, s24, $0xb8;
	[tilespmem:$0x1E800] =	vst v63  }
0x7e: {  	_ =	swait.ge [sflag:s29], $0x4000  }
0x7f: {  	[sflag:s29] =	ssyncset.done $0x0  }
0x80: {  	s9 =	simm.s32 $0x100;
	[sflag:s29] =	ssyncadd.s32 $0xFFFFC000  }
0x81: {  	[tilespmem:s25], [sflag:$0x1] =	stream.indirect.gather [hbm4b:s4+s24], $0x80, s9, s24, $0xb8;
	[tilespmem:$0x1E800] =	vst v63  }
0x82: {  	_ =	swait.ge [sflag:s30], $0x4000  }
0x83: {  	[sflag:s30] =	ssyncset.done $0x0  }
0x84: {  	s10 =	simm.s32 $0x1480;
	[sflag:s30] =	ssyncadd.s32 $0xFFFFC000  }
0x85: {  	[spmem:s1] =	stream.indirect.scatter.add.f32 [tilespmem:s26], [sflag:$0x4], $0x80, s10, s24, $0xb8;
	[tilespmem:$0x1E800] =	vst v63  }
0x86: {  	_ =	swait.ge [sflag:s31], $0x4000  }
0x87: {  	[sflag:s31] =	ssyncset.done $0x0  }
0x88: {  	s8 =	simm.s32 $0x400;
	s9 =	simm.s32 $0x180;
	[sflag:s31] =	ssyncadd.s32 $0xFFFFC000  }
.LBB2_4:
0x89: {  	[tilespmem:s26], [sflag:$0x2] =	stream.indirect.gather [hbm4b:s4+s24], $0x80, s9, s24, $0xb8;
	[tilespmem:$0x1E800] =	vst v63  }
0x8a: {  	s9 =	smov.u32 s8  }
0x8b: {  	p1 =	sne.s32 s8, $0x4800;
	s8 =	sadd.s32 $0x400, s8;
	_ =	swait.ge [sflag:s28], $0x4000  }
0x8c: {  	s9 =	sshra.s32 s9, $0x2;
	[sflag:s28] =	ssyncset.done $0x0  }
0x8d: {  	s10 =	sadd.s32 $0x1400, s9;
	[sflag:s28] =	ssyncadd.s32 $0xFFFFC000  }
0x8e: {  	[spmem:s1] =	stream.indirect.scatter.add.f32 [tilespmem:s25], [sflag:$0x3], $0x80, s10, s24, $0xb8;
	[tilespmem:$0x1E800] =	vst v63  }
0x8f: {  	_ =	swait.ge [sflag:s29], $0x4000  }
0x90: {  	[sflag:s29] =	ssyncset.done $0x0  }
0x91: {  	s10 =	sadd.s32 $0x100, s9;
	[sflag:s29] =	ssyncadd.s32 $0xFFFFC000  }
0x92: {  	[tilespmem:s25], [sflag:$0x1] =	stream.indirect.gather [hbm4b:s4+s24], $0x80, s10, s24, $0xb8;
	[tilespmem:$0x1E800] =	vst v63  }
0x93: {  	_ =	swait.ge [sflag:s30], $0x4000  }
0x94: {  	[sflag:s30] =	ssyncset.done $0x0  }
.Ltmp1:
0x95: {  	s10 =	sadd.s32 $0x1480, s9;
	[sflag:s30] =	ssyncadd.s32 $0xFFFFC000;
	(pc) =	sbr.rel @p1 .LBB2_4-.Ltmp1, $4  }
0x96: {  	[spmem:s1] =	stream.indirect.scatter.add.f32 [tilespmem:s26], [sflag:$0x4], $0x80, s10, s24, $0xb8;
	[tilespmem:$0x1E800] =	vst v63  }
0x97: {  	_ =	swait.ge [sflag:s31], $0x4000  }
0x98: {  	[sflag:s31] =	ssyncset.done $0x0  }
0x99: {  	s9 =	sadd.s32 $0x180, s9;
	[sflag:s31] =	ssyncadd.s32 $0xFFFFC000  }
0x9a: {  	[tilespmem:s26], [sflag:$0x2] =	stream.indirect.gather [hbm4b:s4+s24], $0x80, s9, s24, $0xb8;
	[tilespmem:$0x1E800] =	vst v63  }
0x9b: {  	_ =	swait.ge [sflag:s28], $0x4000  }
0x9c: {  	[sflag:s28] =	ssyncset.done $0x0  }
0x9d: {  	[sflag:s28] =	ssyncadd.s32 $0xFFFFC000  }
0x9e: {  	[spmem:s1] =	stream.indirect.scatter.add.f32 [tilespmem:s25], [sflag:$0x3], $0x80, s0, s24, $0xb8;
	[tilespmem:$0x1E800] =	vst v63  }
0x9f: {  	_ =	swait.ge [sflag:s30], $0x4000  }
0xa0: {  	[sflag:s30] =	ssyncset.done $0x0  }
0xa1: {  	[sflag:s30] =	ssyncadd.s32 $0xFFFFC000  }
0xa2: {  	[spmem:s1] =	stream.indirect.scatter.add.f32 [tilespmem:s26], [sflag:$0x4], $0x80, s2, s24, $0xb8;
	[tilespmem:$0x1E800] =	vst v63  }
0xa3: {  	_ =	swait.ge [sflag:s29], $0x4000  }
0xa4: {  	[sflag:s29] =	ssyncset.done $0x0  }
0xa5: {  	[sflag:s29] =	ssyncadd.s32 $0xFFFFC000  }
0xa6: {  	s8 =	stileid.u32;
	_ =	swait.ge [sflag:s31], $0x4000  }
0xa7: {  	s10 =	sshrl.u32 s6, $0x3;
	s7 =	sadd.s32 $0x1, s7;
	[sflag:s31] =	ssyncset.done $0x0  }
0xa8: {  	s8 =	sshll.u32 s8, $0x6;
	p1 =	sne.s32 s7, s13;
	[sflag:s31] =	ssyncadd.s32 $0xFFFFC000  }
.Ltmp2:
0xa9: {  	s8 =	sor.u32 $0x1C05, s8;
	[bflag:$0x0] =	sbarrier.arrive $0xFFFF;
	(pc) =	sbr.rel @p1 .LBB2_1-.Ltmp2, $4  }
0xaa: {  	[hbm:s12], [sflag:s8] =	dma.local [spmem:s10], $0x2800  }
0xab: {  	_ =	swait.ge [sflag:s22], $0x2800  }
0xac: {  	[sflag:s22] =	ssyncset.done $0x0  }
0xad: {  	[sflag:s22] =	ssyncadd.s32 $0xFFFFD800  }
0xae: {  	_ =	sfence.sel $0x180000  }
0xaf: {  	[bflag:$0x0] =	sbarrier.arrive $0xFFFF  }
0xb0: {  	_ =	strace $0x9000004A  }
0xb1: {  	s0 =	stileid.u32;
	[bflag:$0x2] =	sbarrier.arrive $0xFFFF  }
0xb2: {  	p0 =	sne.s32 s0, $0x0;
	s0 =	rddreg [dreg:$0x3]  }
0xb3: {  	s0 =	sadd.s32 @!p0 $0x100000, s0  }
0xb4: {  	[sflag:s0] =	ssyncadd.tile.s32 @!p0 $0x1;
	_ =	shalt  }
.Lfunc_end2:
_tile_overlayer_lowered:
.L_overlay_start_2:
0xb5: {  	(tag) =	ssettag $0x2  }
0xb6: {  	s0 =	rddreg [dreg:$0x0];
	s2 =	stileid.u32  }
0xb7: {  	s1 =	rddreg [dreg:$0x1];
	p0 =	sne.s32 s2, $0x0  }
0xb8: {  	s3 =	rddreg [dreg:$0x2];
	[bflag:$0x3] =	sbarrier.arrive $0xFFFF;
	s2 =	simm.s32 @!p0 $0x1C05  }
0xb9: {  	[timem:s3], [sflag:s2] =	dma.local @!p0 [hbm:s0], s1  }
0xba: {  	s0 =	simm.s32 @!p0 $0x5  }
0xbb: {  	_ =	swait.ge @!p0 [sflag:s0], s1  }
0xbc: {  	s1 =	ssub.s32 @!p0 $0x0, s1;
	[sflag:s0] =	ssyncset.done @!p0 $0x0  }
0xbd: {  	[sflag:s0] =	ssyncadd.s32 @!p0 s1  }
0xbe: {  	[bflag:$0x3] =	sbarrier.arrive $0xFFFF  }
0xbf: {  	_ =	shalt  }

</sc_bundles>
